<compile_context>
chip_gen: v7x
topology: tpu7x:2x2x1
jax: 0.10.2.dev20260603
libtpu: 0.0.44.dev20260713+nightly
codegen_flags: <defaults>
</compile_context>

<pallas_src>
import functools

import jax
import jax.numpy as jnp
from jax import lax
from jax.experimental import pallas as pl
from jax.experimental.pallas import tpu as pltpu
from jax.experimental.pallas import tpu_sc as plsc

N_NODES = 10000
N_EDGES = 320000
D_IN = 128
D_OUT = 32
D_HID = 64

NC = 2
NS = 16
NW = NC * NS
CHUNK = 128
NCH = -(-N_EDGES // (NW * CHUNK))
E_PAD = NW * NCH * CHUNK
N_PAD = 10112
ROWS_PER_TILE = N_PAD // NS
DEG_W = 16

@functools.lru_cache(maxsize=None)
def _mesh():
    return plsc.VectorSubcoreMesh(core_axis_name="c", subcore_axis_name="s",
                                  num_cores=NC, num_subcores=NS)


def _fill(buf, rows, width, value):
    v = jnp.full((16,), value, jnp.float32)

    def body(r, carry):
        for k in range(width // 16):
            buf[r, pl.ds(k * 16, 16)] = v
        return carry

    lax.fori_loop(0, rows, body, 0)


def _zero_acc_slice(zbuf, acc, sid, width):
    base = sid * ROWS_PER_TILE
    full = ROWS_PER_TILE // CHUNK
    rem = ROWS_PER_TILE % CHUNK
    for k in range(full):
        pltpu.sync_copy(zbuf, acc.at[pl.ds(base + k * CHUNK, CHUNK)])
    if rem:
        pltpu.sync_copy(zbuf.at[pl.ds(0, rem)],
                        acc.at[pl.ds(base + full * CHUNK, rem)])


@functools.lru_cache(maxsize=None)
def _make_deg():
    @functools.partial(
        pl.kernel,
        out_type=jax.ShapeDtypeStruct((NC, N_PAD, DEG_W), jnp.float32),
        mesh=_mesh(),
        compiler_params=pltpu.CompilerParams(use_tc_tiling_on_sc=False),
        scratch_types=[
            pltpu.VMEM((NCH, CHUNK), jnp.int32),
            pltpu.VMEM((CHUNK, DEG_W), jnp.float32),
            pltpu.VMEM_SHARED((N_PAD, DEG_W), jnp.float32),
        ],
    )
    def _deg_kernel(row_hbm, out_hbm, row_v, buf, acc):
        c = lax.axis_index("c")
        s = lax.axis_index("s")
        wid = c * NS + s
        pltpu.sync_copy(row_hbm.at[wid], row_v)
        _fill(buf, CHUNK, DEG_W, 0.0)
        _zero_acc_slice(buf, acc, s, DEG_W)
        plsc.subcore_barrier()
        _fill(buf, CHUNK, DEG_W, 1.0)

        def body(j, carry):
            pltpu.sync_copy(buf, acc.at[row_v.at[j]], add=True)
            return carry

        lax.fori_loop(0, NCH, body, 0)
        plsc.subcore_barrier()
        sl = pl.ds(s * ROWS_PER_TILE, ROWS_PER_TILE)
        pltpu.sync_copy(acc.at[sl], out_hbm.at[c, sl])

    return _deg_kernel


@functools.lru_cache(maxsize=None)
def _make_agg(D):

    params = (None if D % 128 == 0
              else pltpu.CompilerParams(use_tc_tiling_on_sc=False))
    PH = 1
    NPH = NCH // PH

    @functools.partial(
        pl.kernel,
        out_type=jax.ShapeDtypeStruct((NC, N_PAD, D), jnp.float32),
        mesh=_mesh(),
        compiler_params=params,
        scratch_types=[
            pltpu.VMEM((NPH, CHUNK), jnp.int32),
            pltpu.VMEM((NPH, CHUNK), jnp.int32),
            pltpu.VMEM((CHUNK, D), jnp.float32),
            pltpu.SemaphoreType.DMA,
            pltpu.VMEM_SHARED((N_PAD, D), jnp.float32),
        ],
    )
    def agg_kernel(y_hbm, row_hbm, col_hbm, out_hbm, row_v, col_v, buf0,
                   sem0, acc):
        c = lax.axis_index("c")
        s = lax.axis_index("s")
        wid = c * NS + s
        _fill(buf0, CHUNK, D, 0.0)
        _zero_acc_slice(buf0, acc, s, D)
        plsc.subcore_barrier()

        for ph in range(PH):
            pltpu.sync_copy(row_hbm.at[wid, pl.ds(ph * NPH, NPH)], row_v)
            pltpu.sync_copy(col_hbm.at[wid, pl.ds(ph * NPH, NPH)], col_v)

            def body(j, carry):
                pltpu.async_copy(y_hbm.at[col_v.at[j]], buf0, sem0).wait()
                pltpu.sync_copy(buf0, acc.at[row_v.at[j]], add=True)
                return carry

            lax.fori_loop(0, NPH, body, 0)
        plsc.subcore_barrier()
        sl = pl.ds(s * ROWS_PER_TILE, ROWS_PER_TILE)
        pltpu.sync_copy(acc.at[sl], out_hbm.at[c, sl])

    return agg_kernel


_BR = 2000
_NB = N_NODES // _BR


def _scale_body(degp_ref, x_ref, wcat_ref, y_ref, dinv_ref):
    d = degp_ref[...]
    cnt = d[0, :, 0:1] + d[1, :, 0:1] + 1.0
    dinv = lax.rsqrt(jnp.clip(cnt, 1e-12, None))
    dinv_ref[...] = dinv
    xw = jnp.dot(x_ref[...], wcat_ref[...], preferred_element_type=jnp.float32)
    y_ref[...] = xw * dinv


def _scale(degp, x, wcat):
    return pl.pallas_call(
        _scale_body,
        grid=(_NB,),
        in_specs=[
            pl.BlockSpec((NC, _BR, DEG_W), lambda i: (0, i, 0)),
            pl.BlockSpec((_BR, D_IN), lambda i: (i, 0)),
            pl.BlockSpec((D_IN, 2 * D_HID), lambda i: (0, 0)),
        ],
        out_specs=[
            pl.BlockSpec((_BR, 2 * D_HID), lambda i: (i, 0)),
            pl.BlockSpec((_BR, 1), lambda i: (i, 0)),
        ],
        out_shape=[
            jax.ShapeDtypeStruct((N_NODES, 2 * D_HID), jnp.float32),
            jax.ShapeDtypeStruct((N_NODES, 1), jnp.float32),
        ],
    )(degp, x, wcat)


def _dense_body(p_ref, y_ref, dinv_ref, sigb_ref, f1t_ref, f1b_ref, f2t_ref,
                f2b_ref, f3t_ref, f3b_ref, f4t_ref, f4b_ref, c1b_ref, w2_ref,
                c2b_ref, y2_ref, g2_ref, b2c_ref, h1pre_scr, s_scr):
    i = pl.program_id(0)

    @pl.when(i < _NB)
    def _():
        p = p_ref[...]
        a = (p[0] + p[1] + y_ref[...]) * dinv_ref[...]
        h = jnp.maximum(a[:, :D_HID] + sigb_ref[...], 0.0)
        h1pre_scr[pl.ds(i * _BR, _BR), :] = a[:, D_HID:]
        part = jnp.sum(h, axis=0, keepdims=True)

        @pl.when(i == 0)
        def _():
            s_scr[...] = part

        @pl.when(i > 0)
        def _():
            s_scr[...] += part

    @pl.when(i >= _NB)
    def _():
        s = s_scr[...]
        g1 = jnp.tanh(jnp.dot(s, f1t_ref[...],
                              preferred_element_type=jnp.float32) + f1b_ref[...])
        be1 = jnp.tanh(jnp.dot(s, f2t_ref[...],
                               preferred_element_type=jnp.float32) + f2b_ref[...])
        g2 = jnp.tanh(jnp.dot(s, f3t_ref[...],
                              preferred_element_type=jnp.float32) + f3b_ref[...])
        be2 = jnp.tanh(jnp.dot(s, f4t_ref[...],
                               preferred_element_type=jnp.float32) + f4b_ref[...])
        h1pre = h1pre_scr[pl.ds((i - _NB) * _BR, _BR), :]
        h1 = jnp.maximum(g1 * h1pre + be1 + c1b_ref[...], 0.0)
        y2_ref[...] = dinv_ref[...] * jnp.dot(
            h1, w2_ref[...], preferred_element_type=jnp.float32)
        g2_ref[...] = g2
        b2c_ref[...] = be2 + c2b_ref[...]


def _dense(p, y, dinv, sigb, f1t, f1b, f2t, f2b, f3t, f3b, f4t, f4b, c1b, w2,
           c2b):
    small = lambda r, c: pl.BlockSpec((r, c), lambda i: (0, 0))
    blk = lambda i: jnp.where(i < _NB, i, i - _NB)
    return pl.pallas_call(
        _dense_body,
        grid=(2 * _NB,),
        in_specs=[
            pl.BlockSpec((NC, _BR, 2 * D_HID), lambda i: (0, blk(i), 0)),
            pl.BlockSpec((_BR, 2 * D_HID), lambda i: (blk(i), 0)),
            pl.BlockSpec((_BR, 1), lambda i: (blk(i), 0)),
            small(1, D_HID),
            small(D_HID, D_HID), small(1, D_HID),
            small(D_HID, D_HID), small(1, D_HID),
            small(D_HID, D_OUT), small(1, D_OUT),
            small(D_HID, D_OUT), small(1, D_OUT),
            small(1, D_HID),
            small(D_HID, D_OUT),
            small(1, D_OUT),
        ],
        out_specs=[
            pl.BlockSpec((_BR, D_OUT), lambda i: (blk(i), 0)),
            small(1, D_OUT),
            small(1, D_OUT),
        ],
        out_shape=[
            jax.ShapeDtypeStruct((N_NODES, D_OUT), jnp.float32),
            jax.ShapeDtypeStruct((1, D_OUT), jnp.float32),
            jax.ShapeDtypeStruct((1, D_OUT), jnp.float32),
        ],
        scratch_shapes=[
            pltpu.VMEM((N_NODES, D_HID), jnp.float32),
            pltpu.VMEM((1, D_HID), jnp.float32),
        ],
    )(p, y, dinv, sigb, f1t, f1b, f2t, f2b, f3t, f3b, f4t, f4b, c1b, w2, c2b)


def _epilogue_body(q_ref, y2_ref, dinv_ref, g2_ref, b2c_ref, out_ref):
    q = q_ref[...]
    agg2 = (q[0] + q[1] + y2_ref[...]) * dinv_ref[...]
    out_ref[...] = g2_ref[...] * agg2 + b2c_ref[...]


def _epilogue(q, y2, dinv, g2, b2c):
    return pl.pallas_call(
        _epilogue_body,
        grid=(1,),
        in_specs=[
            pl.BlockSpec((NC, N_NODES, D_OUT), lambda i: (0, 0, 0)),
            pl.BlockSpec((N_NODES, D_OUT), lambda i: (0, 0)),
            pl.BlockSpec((N_NODES, 1), lambda i: (0, 0)),
            pl.BlockSpec((1, D_OUT), lambda i: (0, 0)),
            pl.BlockSpec((1, D_OUT), lambda i: (0, 0)),
        ],
        out_specs=pl.BlockSpec((N_NODES, D_OUT), lambda i: (0, 0)),
        out_shape=jax.ShapeDtypeStruct((N_NODES, D_OUT), jnp.float32),
    )(q, y2, dinv, g2, b2c)


def kernel(x, edge_index, sig_conv1_w, sig_conv1_b, fc1_w, fc1_b, fc2_w, fc2_b,
           fc3_w, fc3_b, fc4_w, fc4_b, conv1_w, conv1_b, conv2_w, conv2_b):
    row = edge_index[0]
    col = edge_index[1]
    pad = E_PAD - N_EDGES
    rows_p = jnp.concatenate(
        [row, jnp.full((pad,), N_NODES, row.dtype)]).reshape(NW, NCH, CHUNK)
    cols_p = jnp.concatenate(
        [col, jnp.zeros((pad,), col.dtype)]).reshape(NW, NCH, CHUNK)

    wcat = jnp.concatenate([sig_conv1_w, conv1_w], axis=1)
    degp = _make_deg()(rows_p)
    y, dinv = _scale(degp, x, wcat)
    p = _make_agg(D_IN)(y, rows_p, cols_p)
    y2, g2, b2c = _dense(
        p, y, dinv, sig_conv1_b.reshape(1, -1),
        fc1_w.T, fc1_b.reshape(1, -1), fc2_w.T, fc2_b.reshape(1, -1),
        fc3_w.T, fc3_b.reshape(1, -1), fc4_w.T, fc4_b.reshape(1, -1),
        conv1_b.reshape(1, -1), conv2_w, conv2_b.reshape(1, -1))
    q = _make_agg(D_OUT)(y2, rows_p, cols_p)
    return _epilogue(q, y2, dinv, g2, b2c)

# --- scband reference (transcript-rebuilt; emitter-appended) ---
"""Pipeline reference for scband-meta-signature-encoder-20212116095301 (READ-ONLY COPY).

The authoritative reference and input builder live on the scoring server;
editing this copy changes nothing except your own understanding.
"""

import jax, jax.numpy as jnp
import numpy as np

N_NODES = 10000
N_EDGES = 320000
D_IN = 128
D_OUT = 32
D_HID = 2 * D_OUT


def gcn_conv(x, edge_index, weight, bias, gamma=None, beta=None):
    # MetaGCNConv: x @ W, symmetric-normalized aggregation with self-loops,
    # optional FiLM modulation (gamma * out + beta), then bias.
    N = x.shape[0]
    x = x @ weight
    loop = jnp.arange(N, dtype=edge_index.dtype)
    row = jnp.concatenate([edge_index[0], loop])
    col = jnp.concatenate([edge_index[1], loop])
    deg = jax.ops.segment_sum(jnp.ones_like(row, dtype=x.dtype), row, num_segments=N)
    dinv = jax.lax.rsqrt(jnp.clip(deg, 1e-12, None))
    norm = dinv[row] * dinv[col]
    out = jax.ops.segment_sum(norm[:, None] * x[col], row, num_segments=N)
    if gamma is not None:
        out = gamma * out + beta
    return out + bias


def setup_inputs(seed: int = 0) -> dict:
    key = jax.random.key(seed)
    ks = jax.random.split(key, 20)
    s = 0.05
    inp = {
        'x': jax.random.normal(ks[0], (N_NODES, D_IN), dtype=jnp.float32),
        'edge_index': jax.random.randint(ks[1], (2, N_EDGES), 0, N_NODES, dtype=jnp.int64 if jax.config.jax_enable_x64 else jnp.int32).astype(jnp.int32),
        'sig_conv1_w': jax.random.normal(ks[2], (D_IN, D_HID), dtype=jnp.float32) * s,
        'sig_conv1_b': jax.random.normal(ks[3], (D_HID,), dtype=jnp.float32) * s,
        'fc1_w': jax.random.normal(ks[4], (D_HID, D_HID), dtype=jnp.float32) * s,
        'fc1_b': jax.random.normal(ks[5], (D_HID,), dtype=jnp.float32) * s,
        'fc2_w': jax.random.normal(ks[6], (D_HID, D_HID), dtype=jnp.float32) * s,
        'fc2_b': jax.random.normal(ks[7], (D_HID,), dtype=jnp.float32) * s,
        'fc3_w': jax.random.normal(ks[8], (D_OUT, D_HID), dtype=jnp.float32) * s,
        'fc3_b': jax.random.normal(ks[9], (D_OUT,), dtype=jnp.float32) * s,
        'fc4_w': jax.random.normal(ks[10], (D_OUT, D_HID), dtype=jnp.float32) * s,
        'fc4_b': jax.random.normal(ks[11], (D_OUT,), dtype=jnp.float32) * s,
        'conv1_w': jax.random.normal(ks[12], (D_IN, D_HID), dtype=jnp.float32) * s,
        'conv1_b': jax.random.normal(ks[13], (D_HID,), dtype=jnp.float32) * s,
        'conv2_w': jax.random.normal(ks[14], (D_HID, D_OUT), dtype=jnp.float32) * s,
        'conv2_b': jax.random.normal(ks[15], (D_OUT,), dtype=jnp.float32) * s,
    }
    return inp


def reference(x, edge_index, sig_conv1_w, sig_conv1_b, fc1_w, fc1_b, fc2_w, fc2_b,
              fc3_w, fc3_b, fc4_w, fc4_b, conv1_w, conv1_b, conv2_w, conv2_b):
    # GraphSignature (use_gcn_sig=True path)
    h = jax.nn.relu(gcn_conv(x, edge_index, sig_conv1_w, sig_conv1_b))
    s = h.sum(0)
    sig_gamma_1 = jnp.tanh(s @ fc1_w.T + fc1_b)
    sig_beta_1 = jnp.tanh(s @ fc2_w.T + fc2_b)
    sig_gamma_2 = jnp.tanh(s @ fc3_w.T + fc3_b)
    sig_beta_2 = jnp.tanh(s @ fc4_w.T + fc4_b)
    # inner_loop=True -> signature computed under no_grad (fwd values identical)
    sig_gamma_1 = jax.lax.stop_gradient(sig_gamma_1)
    sig_beta_1 = jax.lax.stop_gradient(sig_beta_1)
    sig_gamma_2 = jax.lax.stop_gradient(sig_gamma_2)
    sig_beta_2 = jax.lax.stop_gradient(sig_beta_2)
    # encoder (model='GAE', layer_norm=False)
    h1 = jax.nn.relu(gcn_conv(x, edge_index, conv1_w, conv1_b, gamma=sig_gamma_1, beta=sig_beta_1))
    out = gcn_conv(h1, edge_index, conv2_w, conv2_b, gamma=sig_gamma_2, beta=sig_beta_2)
    return out

if __name__ == "__main__":
    import jax
    _d = setup_inputs()
    print(jax.jit(kernel)(*tuple(_d.values())))

</pallas_src>

<mosaic_0001>
#map = affine_map<(d0, d1) -> (0, 0)>
#map1 = affine_map<(d0, d1) -> (0, 0, 0)>
module attributes {stable_mosaic.version = 14 : i64} {
  func.func @agg_kernel(%arg0: i32, %arg1: i32, %arg2: memref<10000x32xf32, #tpu.memory_space<hbm>>, %arg3: memref<32x79x128xi32, #tpu.memory_space<hbm>>, %arg4: memref<32x79x128xi32, #tpu.memory_space<hbm>>, %arg5: memref<2x10112x32xf32, #tpu.memory_space<hbm>>, %arg6: memref<79x128xi32, #tpu.memory_space<vmem>>, %arg7: memref<79x128xi32, #tpu.memory_space<vmem>>, %arg8: memref<128x32xf32, #tpu.memory_space<vmem>>, %arg9: memref<!tpu.dma_semaphore, #tpu.memory_space<semaphore_mem>>, %arg10: memref<10112x32xf32, #tpu.memory_space<vmem_shared>>) attributes {dimension_semantics = [#tpu.dimension_semantics<core_parallel>, #tpu.dimension_semantics<subcore_parallel>], iteration_bounds = array<i64: 2, 16>, scalar_prefetch = 0 : i64, scratch_operands = 5 : i64, tpu.core_type = #tpu.core_type<sc_vector_subcore>, window_params = [{transform_indices = #map}, {transform_indices = #map1}, {transform_indices = #map1}, {transform_indices = #map1}]} {
    %mul3A = arith.constant 16 : i32
    %mul3A_0 = arith.muli %arg0, %mul3A : i32
    %add3A = arith.addi %mul3A_0, %arg1 : i32
    %broadcast_in_dim3A = arith.constant 0.000000e+00 : f32
    %broadcast_in_dim3A_1 = vector.broadcast %broadcast_in_dim3A : f32 to vector<16xf32>
    %scan3A = arith.constant 0 : i32
    %scan3A_2 = arith.constant 0 : i32
    %scan3A_3 = arith.constant 128 : i32
    %scan3A_4 = arith.addi %scan3A_2, %scan3A_3 : i32
    %scan3A_5 = arith.constant 1 : i32
    scf.for %scan3A_28 = %scan3A_2 to %scan3A_4 step %scan3A_5  : i32 {
      %swap3A = arith.index_cast %scan3A_28 : i32 to index
      %swap3A_29 = arith.constant 0 : index
      %swap3A_30 = tpu.vector_load %arg8[%swap3A, %swap3A_29] {strides = array<i32>} : memref<128x32xf32, #tpu.memory_space<vmem>>, vector<1x16xf32>,
      %swap3A_31 = vector.shape_cast %swap3A_30 : vector<1x16xf32> to vector<16xf32>
      %swap3A_32 = vector.shape_cast %broadcast_in_dim3A_1 : vector<16xf32> to vector<1x16xf32>
      tpu.vector_store %arg8[%swap3A, %swap3A_29], %swap3A_32 {strides = array<i32>} : memref<128x32xf32, #tpu.memory_space<vmem>>, vector<1x16xf32>,
      %swap3A_33 = arith.index_cast %scan3A_28 : i32 to index
      %swap3A_34 = arith.constant 16 : index
      %swap3A_35 = tpu.vector_load %arg8[%swap3A_33, %swap3A_34] {strides = array<i32>} : memref<128x32xf32, #tpu.memory_space<vmem>>, vector<1x16xf32>,
      %swap3A_36 = vector.shape_cast %swap3A_35 : vector<1x16xf32> to vector<16xf32>
      %swap3A_37 = vector.shape_cast %broadcast_in_dim3A_1 : vector<16xf32> to vector<1x16xf32>
      tpu.vector_store %arg8[%swap3A_33, %swap3A_34], %swap3A_37 {strides = array<i32>} : memref<128x32xf32, #tpu.memory_space<vmem>>, vector<1x16xf32>,
    }
    %scan3A_6 = arith.constant 128 : i32
    %mul3A_7 = arith.constant 632 : i32
    %mul3A_8 = arith.muli %arg1, %mul3A_7 : i32
    %add3A_9 = arith.constant 0 : i32
    %add3A_10 = arith.addi %mul3A_8, %add3A_9 : i32
    "tpu.region"() ({
      %run_scoped3A = tpu.sem_alloc : memref<!tpu.dma_semaphore, #tpu.memory_space<semaphore_mem>>
      %dma_start3A = arith.constant 0 : i32
      %dma_start3A_28 = tpu.memref_slice %arg10[%add3A_10, %dma_start3A] : memref<10112x32xf32, #tpu.memory_space<vmem_shared>> -> memref<128x32xf32, #tpu.memory_space<vmem_shared>>
      %dma_start3A_29 = arith.constant 0 : i32
      %dma_start3A_30 = tpu.memref_slice %arg10[%add3A_10, %dma_start3A_29] : memref<10112x32xf32, #tpu.memory_space<vmem_shared>> -> memref<128x32xf32, #tpu.memory_space<vmem_shared>>
      tpu.enqueue_dma source(%arg8 : memref<128x32xf32, #tpu.memory_space<vmem>>) target(%dma_start3A_30 : memref<128x32xf32, #tpu.memory_space<vmem_shared>>) target_semaphore(%run_scoped3A : memref<!tpu.dma_semaphore, #tpu.memory_space<semaphore_mem>>)
      %dma_wait3A = arith.constant 0 : i32
      %dma_wait3A_31 = tpu.memref_slice %arg10[%add3A_10, %dma_wait3A] : memref<10112x32xf32, #tpu.memory_space<vmem_shared>> -> memref<128x32xf32, #tpu.memory_space<vmem_shared>>
      %dma_wait3A_32 = arith.constant 0 : i32
      %dma_wait3A_33 = tpu.memref_slice %arg10[%add3A_10, %dma_wait3A_32] : memref<10112x32xf32, #tpu.memory_space<vmem_shared>> -> memref<128x32xf32, #tpu.memory_space<vmem_shared>>
      tpu.wait_dma2 semaphore(%run_scoped3A : memref<!tpu.dma_semaphore, #tpu.memory_space<semaphore_mem>>) src(%arg8 : memref<128x32xf32, #tpu.memory_space<vmem>>) dst(%dma_wait3A_33 : memref<128x32xf32, #tpu.memory_space<vmem_shared>>)
      tpu.yield
    }) : () -> ()
    %add3A_11 = arith.constant 128 : i32
    %add3A_12 = arith.addi %mul3A_8, %add3A_11 : i32
    "tpu.region"() ({
      %run_scoped3A = tpu.sem_alloc : memref<!tpu.dma_semaphore, #tpu.memory_space<semaphore_mem>>
      %dma_start3A = arith.constant 0 : i32
      %dma_start3A_28 = tpu.memref_slice %arg10[%add3A_12, %dma_start3A] : memref<10112x32xf32, #tpu.memory_space<vmem_shared>> -> memref<128x32xf32, #tpu.memory_space<vmem_shared>>
      %dma_start3A_29 = arith.constant 0 : i32
      %dma_start3A_30 = tpu.memref_slice %arg10[%add3A_12, %dma_start3A_29] : memref<10112x32xf32, #tpu.memory_space<vmem_shared>> -> memref<128x32xf32, #tpu.memory_space<vmem_shared>>
      tpu.enqueue_dma source(%arg8 : memref<128x32xf32, #tpu.memory_space<vmem>>) target(%dma_start3A_30 : memref<128x32xf32, #tpu.memory_space<vmem_shared>>) target_semaphore(%run_scoped3A : memref<!tpu.dma_semaphore, #tpu.memory_space<semaphore_mem>>)
      %dma_wait3A = arith.constant 0 : i32
      %dma_wait3A_31 = tpu.memref_slice %arg10[%add3A_12, %dma_wait3A] : memref<10112x32xf32, #tpu.memory_space<vmem_shared>> -> memref<128x32xf32, #tpu.memory_space<vmem_shared>>
      %dma_wait3A_32 = arith.constant 0 : i32
      %dma_wait3A_33 = tpu.memref_slice %arg10[%add3A_12, %dma_wait3A_32] : memref<10112x32xf32, #tpu.memory_space<vmem_shared>> -> memref<128x32xf32, #tpu.memory_space<vmem_shared>>
      tpu.wait_dma2 semaphore(%run_scoped3A : memref<!tpu.dma_semaphore, #tpu.memory_space<semaphore_mem>>) src(%arg8 : memref<128x32xf32, #tpu.memory_space<vmem>>) dst(%dma_wait3A_33 : memref<128x32xf32, #tpu.memory_space<vmem_shared>>)
      tpu.yield
    }) : () -> ()
    %add3A_13 = arith.constant 256 : i32
    %add3A_14 = arith.addi %mul3A_8, %add3A_13 : i32
    "tpu.region"() ({
      %run_scoped3A = tpu.sem_alloc : memref<!tpu.dma_semaphore, #tpu.memory_space<semaphore_mem>>
      %dma_start3A = arith.constant 0 : i32
      %dma_start3A_28 = tpu.memref_slice %arg10[%add3A_14, %dma_start3A] : memref<10112x32xf32, #tpu.memory_space<vmem_shared>> -> memref<128x32xf32, #tpu.memory_space<vmem_shared>>
      %dma_start3A_29 = arith.constant 0 : i32
      %dma_start3A_30 = tpu.memref_slice %arg10[%add3A_14, %dma_start3A_29] : memref<10112x32xf32, #tpu.memory_space<vmem_shared>> -> memref<128x32xf32, #tpu.memory_space<vmem_shared>>
      tpu.enqueue_dma source(%arg8 : memref<128x32xf32, #tpu.memory_space<vmem>>) target(%dma_start3A_30 : memref<128x32xf32, #tpu.memory_space<vmem_shared>>) target_semaphore(%run_scoped3A : memref<!tpu.dma_semaphore, #tpu.memory_space<semaphore_mem>>)
      %dma_wait3A = arith.constant 0 : i32
      %dma_wait3A_31 = tpu.memref_slice %arg10[%add3A_14, %dma_wait3A] : memref<10112x32xf32, #tpu.memory_space<vmem_shared>> -> memref<128x32xf32, #tpu.memory_space<vmem_shared>>
      %dma_wait3A_32 = arith.constant 0 : i32
      %dma_wait3A_33 = tpu.memref_slice %arg10[%add3A_14, %dma_wait3A_32] : memref<10112x32xf32, #tpu.memory_space<vmem_shared>> -> memref<128x32xf32, #tpu.memory_space<vmem_shared>>
      tpu.wait_dma2 semaphore(%run_scoped3A : memref<!tpu.dma_semaphore, #tpu.memory_space<semaphore_mem>>) src(%arg8 : memref<128x32xf32, #tpu.memory_space<vmem>>) dst(%dma_wait3A_33 : memref<128x32xf32, #tpu.memory_space<vmem_shared>>)
      tpu.yield
    }) : () -> ()
    %add3A_15 = arith.constant 384 : i32
    %add3A_16 = arith.addi %mul3A_8, %add3A_15 : i32
    "tpu.region"() ({
      %run_scoped3A = tpu.sem_alloc : memref<!tpu.dma_semaphore, #tpu.memory_space<semaphore_mem>>
      %dma_start3A = arith.constant 0 : i32
      %dma_start3A_28 = tpu.memref_slice %arg10[%add3A_16, %dma_start3A] : memref<10112x32xf32, #tpu.memory_space<vmem_shared>> -> memref<128x32xf32, #tpu.memory_space<vmem_shared>>
      %dma_start3A_29 = arith.constant 0 : i32
      %dma_start3A_30 = tpu.memref_slice %arg10[%add3A_16, %dma_start3A_29] : memref<10112x32xf32, #tpu.memory_space<vmem_shared>> -> memref<128x32xf32, #tpu.memory_space<vmem_shared>>
      tpu.enqueue_dma source(%arg8 : memref<128x32xf32, #tpu.memory_space<vmem>>) target(%dma_start3A_30 : memref<128x32xf32, #tpu.memory_space<vmem_shared>>) target_semaphore(%run_scoped3A : memref<!tpu.dma_semaphore, #tpu.memory_space<semaphore_mem>>)
      %dma_wait3A = arith.constant 0 : i32
      %dma_wait3A_31 = tpu.memref_slice %arg10[%add3A_16, %dma_wait3A] : memref<10112x32xf32, #tpu.memory_space<vmem_shared>> -> memref<128x32xf32, #tpu.memory_space<vmem_shared>>
      %dma_wait3A_32 = arith.constant 0 : i32
      %dma_wait3A_33 = tpu.memref_slice %arg10[%add3A_16, %dma_wait3A_32] : memref<10112x32xf32, #tpu.memory_space<vmem_shared>> -> memref<128x32xf32, #tpu.memory_space<vmem_shared>>
      tpu.wait_dma2 semaphore(%run_scoped3A : memref<!tpu.dma_semaphore, #tpu.memory_space<semaphore_mem>>) src(%arg8 : memref<128x32xf32, #tpu.memory_space<vmem>>) dst(%dma_wait3A_33 : memref<128x32xf32, #tpu.memory_space<vmem_shared>>)
      tpu.yield
    }) : () -> ()
    %add3A_17 = arith.constant 512 : i32
    %add3A_18 = arith.addi %mul3A_8, %add3A_17 : i32
    "tpu.region"() ({
      %run_scoped3A = tpu.sem_alloc : memref<!tpu.dma_semaphore, #tpu.memory_space<semaphore_mem>>
      %dma_start3A = arith.constant 0 : i32
      %dma_start3A_28 = arith.constant 0 : i32
      %dma_start3A_29 = tpu.memref_slice %arg8[%dma_start3A, %dma_start3A_28] : memref<128x32xf32, #tpu.memory_space<vmem>> -> memref<120x32xf32, #tpu.memory_space<vmem>>
      %dma_start3A_30 = arith.constant 0 : i32
      %dma_start3A_31 = tpu.memref_slice %arg10[%add3A_18, %dma_start3A_30] : memref<10112x32xf32, #tpu.memory_space<vmem_shared>> -> memref<120x32xf32, #tpu.memory_space<vmem_shared>>
      %dma_start3A_32 = arith.constant 0 : i32
      %dma_start3A_33 = tpu.memref_slice %arg10[%add3A_18, %dma_start3A_32] : memref<10112x32xf32, #tpu.memory_space<vmem_shared>> -> memref<120x32xf32, #tpu.memory_space<vmem_shared>>
      %dma_start3A_34 = arith.constant 0 : i32
      %dma_start3A_35 = arith.constant 0 : i32
      %dma_start3A_36 = tpu.memref_slice %arg8[%dma_start3A_34, %dma_start3A_35] : memref<128x32xf32, #tpu.memory_space<vmem>> -> memref<120x32xf32, #tpu.memory_space<vmem>>
      tpu.enqueue_dma source(%dma_start3A_36 : memref<120x32xf32, #tpu.memory_space<vmem>>) target(%dma_start3A_33 : memref<120x32xf32, #tpu.memory_space<vmem_shared>>) target_semaphore(%run_scoped3A : memref<!tpu.dma_semaphore, #tpu.memory_space<semaphore_mem>>)
      %dma_wait3A = arith.constant 0 : i32
      %dma_wait3A_37 = arith.constant 0 : i32
      %dma_wait3A_38 = tpu.memref_slice %arg8[%dma_wait3A, %dma_wait3A_37] : memref<128x32xf32, #tpu.memory_space<vmem>> -> memref<120x32xf32, #tpu.memory_space<vmem>>
      %dma_wait3A_39 = arith.constant 0 : i32
      %dma_wait3A_40 = tpu.memref_slice %arg10[%add3A_18, %dma_wait3A_39] : memref<10112x32xf32, #tpu.memory_space<vmem_shared>> -> memref<120x32xf32, #tpu.memory_space<vmem_shared>>
      %dma_wait3A_41 = arith.constant 0 : i32
      %dma_wait3A_42 = tpu.memref_slice %arg10[%add3A_18, %dma_wait3A_41] : memref<10112x32xf32, #tpu.memory_space<vmem_shared>> -> memref<120x32xf32, #tpu.memory_space<vmem_shared>>
      %dma_wait3A_43 = arith.constant 0 : i32
      %dma_wait3A_44 = arith.constant 0 : i32
      %dma_wait3A_45 = tpu.memref_slice %arg8[%dma_wait3A_43, %dma_wait3A_44] : memref<128x32xf32, #tpu.memory_space<vmem>> -> memref<120x32xf32, #tpu.memory_space<vmem>>
      tpu.wait_dma2 semaphore(%run_scoped3A : memref<!tpu.dma_semaphore, #tpu.memory_space<semaphore_mem>>) src(%dma_wait3A_45 : memref<120x32xf32, #tpu.memory_space<vmem>>) dst(%dma_wait3A_42 : memref<120x32xf32, #tpu.memory_space<vmem_shared>>)
      tpu.yield
    }) : () -> ()
    %barrier3A = arith.constant 0 : index
    tpu.barrier barrier_id(%barrier3A)
    "tpu.region"() ({
      %run_scoped3A = tpu.sem_alloc : memref<!tpu.dma_semaphore, #tpu.memory_space<semaphore_mem>>
      %dma_start3A = arith.constant 0 : i32
      %dma_start3A_28 = arith.constant 0 : i32
      %dma_start3A_29 = tpu.memref_slice %arg3[%add3A, %dma_start3A, %dma_start3A_28] : memref<32x79x128xi32, #tpu.memory_space<hbm>> -> memref<1x79x128xi32, #tpu.memory_space<hbm>>
      %dma_start3A_30 = tpu.memref_squeeze %dma_start3A_29 : memref<1x79x128xi32, #tpu.memory_space<hbm>> -> memref<79x128xi32, #tpu.memory_space<hbm>>
      %dma_start3A_31 = arith.constant 0 : i32
      %dma_start3A_32 = arith.constant 0 : i32
      %dma_start3A_33 = tpu.memref_slice %arg3[%add3A, %dma_start3A_31, %dma_start3A_32] : memref<32x79x128xi32, #tpu.memory_space<hbm>> -> memref<1x79x128xi32, #tpu.memory_space<hbm>>
      %dma_start3A_34 = tpu.memref_squeeze %dma_start3A_33 : memref<1x79x128xi32, #tpu.memory_space<hbm>> -> memref<79x128xi32, #tpu.memory_space<hbm>>
      tpu.enqueue_dma source(%dma_start3A_34 : memref<79x128xi32, #tpu.memory_space<hbm>>) target(%arg6 : memref<79x128xi32, #tpu.memory_space<vmem>>) target_semaphore(%run_scoped3A : memref<!tpu.dma_semaphore, #tpu.memory_space<semaphore_mem>>)
      %dma_wait3A = arith.constant 0 : i32
      %dma_wait3A_35 = arith.constant 0 : i32
      %dma_wait3A_36 = tpu.memref_slice %arg3[%add3A, %dma_wait3A, %dma_wait3A_35] : memref<32x79x128xi32, #tpu.memory_space<hbm>> -> memref<1x79x128xi32, #tpu.memory_space<hbm>>
      %dma_wait3A_37 = tpu.memref_squeeze %dma_wait3A_36 : memref<1x79x128xi32, #tpu.memory_space<hbm>> -> memref<79x128xi32, #tpu.memory_space<hbm>>
      %dma_wait3A_38 = arith.constant 0 : i32
      %dma_wait3A_39 = arith.constant 0 : i32
      %dma_wait3A_40 = tpu.memref_slice %arg3[%add3A, %dma_wait3A_38, %dma_wait3A_39] : memref<32x79x128xi32, #tpu.memory_space<hbm>> -> memref<1x79x128xi32, #tpu.memory_space<hbm>>
      %dma_wait3A_41 = tpu.memref_squeeze %dma_wait3A_40 : memref<1x79x128xi32, #tpu.memory_space<hbm>> -> memref<79x128xi32, #tpu.memory_space<hbm>>
      tpu.wait_dma2 semaphore(%run_scoped3A : memref<!tpu.dma_semaphore, #tpu.memory_space<semaphore_mem>>) src(%dma_wait3A_41 : memref<79x128xi32, #tpu.memory_space<hbm>>) dst(%arg6 : memref<79x128xi32, #tpu.memory_space<vmem>>)
      tpu.yield
    }) : () -> ()
    "tpu.region"() ({
      %run_scoped3A = tpu.sem_alloc : memref<!tpu.dma_semaphore, #tpu.memory_space<semaphore_mem>>
      %dma_start3A = arith.constant 0 : i32
      %dma_start3A_28 = arith.constant 0 : i32
      %dma_start3A_29 = tpu.memref_slice %arg4[%add3A, %dma_start3A, %dma_start3A_28] : memref<32x79x128xi32, #tpu.memory_space<hbm>> -> memref<1x79x128xi32, #tpu.memory_space<hbm>>
      %dma_start3A_30 = tpu.memref_squeeze %dma_start3A_29 : memref<1x79x128xi32, #tpu.memory_space<hbm>> -> memref<79x128xi32, #tpu.memory_space<hbm>>
      %dma_start3A_31 = arith.constant 0 : i32
      %dma_start3A_32 = arith.constant 0 : i32
      %dma_start3A_33 = tpu.memref_slice %arg4[%add3A, %dma_start3A_31, %dma_start3A_32] : memref<32x79x128xi32, #tpu.memory_space<hbm>> -> memref<1x79x128xi32, #tpu.memory_space<hbm>>
      %dma_start3A_34 = tpu.memref_squeeze %dma_start3A_33 : memref<1x79x128xi32, #tpu.memory_space<hbm>> -> memref<79x128xi32, #tpu.memory_space<hbm>>
      tpu.enqueue_dma source(%dma_start3A_34 : memref<79x128xi32, #tpu.memory_space<hbm>>) target(%arg7 : memref<79x128xi32, #tpu.memory_space<vmem>>) target_semaphore(%run_scoped3A : memref<!tpu.dma_semaphore, #tpu.memory_space<semaphore_mem>>)
      %dma_wait3A = arith.constant 0 : i32
      %dma_wait3A_35 = arith.constant 0 : i32
      %dma_wait3A_36 = tpu.memref_slice %arg4[%add3A, %dma_wait3A, %dma_wait3A_35] : memref<32x79x128xi32, #tpu.memory_space<hbm>> -> memref<1x79x128xi32, #tpu.memory_space<hbm>>
      %dma_wait3A_37 = tpu.memref_squeeze %dma_wait3A_36 : memref<1x79x128xi32, #tpu.memory_space<hbm>> -> memref<79x128xi32, #tpu.memory_space<hbm>>
      %dma_wait3A_38 = arith.constant 0 : i32
      %dma_wait3A_39 = arith.constant 0 : i32
      %dma_wait3A_40 = tpu.memref_slice %arg4[%add3A, %dma_wait3A_38, %dma_wait3A_39] : memref<32x79x128xi32, #tpu.memory_space<hbm>> -> memref<1x79x128xi32, #tpu.memory_space<hbm>>
      %dma_wait3A_41 = tpu.memref_squeeze %dma_wait3A_40 : memref<1x79x128xi32, #tpu.memory_space<hbm>> -> memref<79x128xi32, #tpu.memory_space<hbm>>
      tpu.wait_dma2 semaphore(%run_scoped3A : memref<!tpu.dma_semaphore, #tpu.memory_space<semaphore_mem>>) src(%dma_wait3A_41 : memref<79x128xi32, #tpu.memory_space<hbm>>) dst(%arg7 : memref<79x128xi32, #tpu.memory_space<vmem>>)
      tpu.yield
    }) : () -> ()
    %scan3A_19 = arith.constant 0 : i32
    %scan3A_20 = arith.constant 0 : i32
    %scan3A_21 = arith.constant 79 : i32
    %scan3A_22 = arith.addi %scan3A_20, %scan3A_21 : i32
    %scan3A_23 = arith.constant 1 : i32
    scf.for %scan3A_28 = %scan3A_20 to %scan3A_22 step %scan3A_23  : i32 {
      %dma_start3A = arith.constant 0 : i32
      %dma_start3A_29 = tpu.memref_slice %arg7[%scan3A_28, %dma_start3A] : memref<79x128xi32, #tpu.memory_space<vmem>> -> memref<1x128xi32, #tpu.memory_space<vmem>>
      %dma_start3A_30 = tpu.memref_squeeze %dma_start3A_29 : memref<1x128xi32, #tpu.memory_space<vmem>> -> memref<128xi32, #tpu.memory_space<vmem>>
      %dma_start3A_31 = arith.constant 0 : i32
      %dma_start3A_32 = arith.constant 0 : i32
      %dma_start3A_33 = tpu.memref_slice %arg2[%dma_start3A_31, %dma_start3A_32] : memref<10000x32xf32, #tpu.memory_space<hbm>> -> memref<10000x32xf32, #tpu.memory_space<hbm>>
      tpu.enqueue_indirect_dma source(%dma_start3A_33 : memref<10000x32xf32, #tpu.memory_space<hbm>>) target(%arg8 : memref<128x32xf32, #tpu.memory_space<vmem>>) offsets(%dma_start3A_30 : memref<128xi32, #tpu.memory_space<vmem>>) semaphore(%arg9 : memref<!tpu.dma_semaphore, #tpu.memory_space<semaphore_mem>>)
      %dma_wait3A = arith.constant 0 : i32
      %dma_wait3A_34 = tpu.memref_slice %arg7[%scan3A_28, %dma_wait3A] : memref<79x128xi32, #tpu.memory_space<vmem>> -> memref<1x128xi32, #tpu.memory_space<vmem>>
      %dma_wait3A_35 = tpu.memref_squeeze %dma_wait3A_34 : memref<1x128xi32, #tpu.memory_space<vmem>> -> memref<128xi32, #tpu.memory_space<vmem>>
      %dma_wait3A_36 = arith.constant 0 : i32
      %dma_wait3A_37 = arith.constant 0 : i32
      %dma_wait3A_38 = tpu.memref_slice %arg2[%dma_wait3A_36, %dma_wait3A_37] : memref<10000x32xf32, #tpu.memory_space<hbm>> -> memref<10000x32xf32, #tpu.memory_space<hbm>>
      tpu.wait_indirect_dma semaphore(%arg9 : memref<!tpu.dma_semaphore, #tpu.memory_space<semaphore_mem>>) src(%dma_wait3A_38 : memref<10000x32xf32, #tpu.memory_space<hbm>>) dst(%arg8 : memref<128x32xf32, #tpu.memory_space<vmem>>)
      "tpu.region"() ({
        %run_scoped3A = tpu.sem_alloc : memref<!tpu.dma_semaphore, #tpu.memory_space<semaphore_mem>>
        %dma_start3A_39 = arith.constant 0 : i32
        %dma_start3A_40 = tpu.memref_slice %arg6[%scan3A_28, %dma_start3A_39] : memref<79x128xi32, #tpu.memory_space<vmem>> -> memref<1x128xi32, #tpu.memory_space<vmem>>
        %dma_start3A_41 = tpu.memref_squeeze %dma_start3A_40 : memref<1x128xi32, #tpu.memory_space<vmem>> -> memref<128xi32, #tpu.memory_space<vmem>>
        %dma_start3A_42 = arith.constant 0 : i32
        %dma_start3A_43 = arith.constant 0 : i32
        %dma_start3A_44 = tpu.memref_slice %arg10[%dma_start3A_42, %dma_start3A_43] : memref<10112x32xf32, #tpu.memory_space<vmem_shared>> -> memref<10112x32xf32, #tpu.memory_space<vmem_shared>>
        tpu.enqueue_indirect_dma source(%arg8 : memref<128x32xf32, #tpu.memory_space<vmem>>) target(%dma_start3A_44 : memref<10112x32xf32, #tpu.memory_space<vmem_shared>>) offsets(%dma_start3A_41 : memref<128xi32, #tpu.memory_space<vmem>>) semaphore(%run_scoped3A : memref<!tpu.dma_semaphore, #tpu.memory_space<semaphore_mem>>) {add = true}
        %dma_wait3A_45 = arith.constant 0 : i32
        %dma_wait3A_46 = tpu.memref_slice %arg6[%scan3A_28, %dma_wait3A_45] : memref<79x128xi32, #tpu.memory_space<vmem>> -> memref<1x128xi32, #tpu.memory_space<vmem>>
        %dma_wait3A_47 = tpu.memref_squeeze %dma_wait3A_46 : memref<1x128xi32, #tpu.memory_space<vmem>> -> memref<128xi32, #tpu.memory_space<vmem>>
        %dma_wait3A_48 = arith.constant 0 : i32
        %dma_wait3A_49 = arith.constant 0 : i32
        %dma_wait3A_50 = tpu.memref_slice %arg10[%dma_wait3A_48, %dma_wait3A_49] : memref<10112x32xf32, #tpu.memory_space<vmem_shared>> -> memref<10112x32xf32, #tpu.memory_space<vmem_shared>>
        tpu.wait_indirect_dma semaphore(%run_scoped3A : memref<!tpu.dma_semaphore, #tpu.memory_space<semaphore_mem>>) src(%arg8 : memref<128x32xf32, #tpu.memory_space<vmem>>) dst(%dma_wait3A_50 : memref<10112x32xf32, #tpu.memory_space<vmem_shared>>)
        tpu.yield
      }) : () -> ()
    }
    %scan3A_24 = arith.constant 79 : i32
    %barrier3A_25 = arith.constant 0 : index
    tpu.barrier barrier_id(%barrier3A_25)
    %mul3A_26 = arith.constant 632 : i32
    %mul3A_27 = arith.muli %arg1, %mul3A_26 : i32
    "tpu.region"() ({
      %run_scoped3A = tpu.sem_alloc : memref<!tpu.dma_semaphore, #tpu.memory_space<semaphore_mem>>
      %dma_start3A = arith.constant 0 : i32
      %dma_start3A_28 = tpu.memref_slice %arg5[%arg0, %mul3A_27, %dma_start3A] : memref<2x10112x32xf32, #tpu.memory_space<hbm>> -> memref<1x632x32xf32, #tpu.memory_space<hbm>>
      %dma_start3A_29 = tpu.memref_squeeze %dma_start3A_28 : memref<1x632x32xf32, #tpu.memory_space<hbm>> -> memref<632x32xf32, #tpu.memory_space<hbm>>
      %dma_start3A_30 = arith.constant 0 : i32
      %dma_start3A_31 = tpu.memref_slice %arg10[%mul3A_27, %dma_start3A_30] : memref<10112x32xf32, #tpu.memory_space<vmem_shared>> -> memref<632x32xf32, #tpu.memory_space<vmem_shared>>
      tpu.enqueue_dma source(%dma_start3A_31 : memref<632x32xf32, #tpu.memory_space<vmem_shared>>) target(%dma_start3A_29 : memref<632x32xf32, #tpu.memory_space<hbm>>) target_semaphore(%run_scoped3A : memref<!tpu.dma_semaphore, #tpu.memory_space<semaphore_mem>>)
      %dma_wait3A = arith.constant 0 : i32
      %dma_wait3A_32 = tpu.memref_slice %arg5[%arg0, %mul3A_27, %dma_wait3A] : memref<2x10112x32xf32, #tpu.memory_space<hbm>> -> memref<1x632x32xf32, #tpu.memory_space<hbm>>
      %dma_wait3A_33 = tpu.memref_squeeze %dma_wait3A_32 : memref<1x632x32xf32, #tpu.memory_space<hbm>> -> memref<632x32xf32, #tpu.memory_space<hbm>>
      %dma_wait3A_34 = arith.constant 0 : i32
      %dma_wait3A_35 = tpu.memref_slice %arg10[%mul3A_27, %dma_wait3A_34] : memref<10112x32xf32, #tpu.memory_space<vmem_shared>> -> memref<632x32xf32, #tpu.memory_space<vmem_shared>>
      tpu.wait_dma2 semaphore(%run_scoped3A : memref<!tpu.dma_semaphore, #tpu.memory_space<semaphore_mem>>) src(%dma_wait3A_35 : memref<632x32xf32, #tpu.memory_space<vmem_shared>>) dst(%dma_wait3A_33 : memref<632x32xf32, #tpu.memory_space<hbm>>)
      tpu.yield
    }) : () -> ()
    return
  }
}

#map = affine_map<(d0, d1) -> (0, 0, 0)>
module attributes {stable_mosaic.version = 14 : i64} {
  func.func @_deg_kernel(%arg0: i32, %arg1: i32, %arg2: memref<32x79x128xi32, #tpu.memory_space<hbm>>, %arg3: memref<2x10112x16xf32, #tpu.memory_space<hbm>>, %arg4: memref<79x128xi32, #tpu.memory_space<vmem>>, %arg5: memref<128x16xf32, #tpu.memory_space<vmem>>, %arg6: memref<10112x16xf32, #tpu.memory_space<vmem_shared>>) attributes {dimension_semantics = [#tpu.dimension_semantics<core_parallel>, #tpu.dimension_semantics<subcore_parallel>], iteration_bounds = array<i64: 2, 16>, scalar_prefetch = 0 : i64, scratch_operands = 3 : i64, tpu.core_type = #tpu.core_type<sc_vector_subcore>, window_params = [{transform_indices = #map}, {transform_indices = #map}]} {
    %mul3A = arith.constant 16 : i32
    %mul3A_0 = arith.muli %arg0, %mul3A : i32
    %add3A = arith.addi %mul3A_0, %arg1 : i32
    "tpu.region"() ({
      %run_scoped3A = tpu.sem_alloc : memref<!tpu.dma_semaphore, #tpu.memory_space<semaphore_mem>>
      %dma_start3A = arith.constant 0 : i32
      %dma_start3A_36 = arith.constant 0 : i32
      %dma_start3A_37 = tpu.memref_slice %arg2[%add3A, %dma_start3A, %dma_start3A_36] : memref<32x79x128xi32, #tpu.memory_space<hbm>> -> memref<1x79x128xi32, #tpu.memory_space<hbm>>
      %dma_start3A_38 = tpu.memref_squeeze %dma_start3A_37 : memref<1x79x128xi32, #tpu.memory_space<hbm>> -> memref<79x128xi32, #tpu.memory_space<hbm>>
      %dma_start3A_39 = arith.constant 0 : i32
      %dma_start3A_40 = arith.constant 0 : i32
      %dma_start3A_41 = tpu.memref_slice %arg2[%add3A, %dma_start3A_39, %dma_start3A_40] : memref<32x79x128xi32, #tpu.memory_space<hbm>> -> memref<1x79x128xi32, #tpu.memory_space<hbm>>
      %dma_start3A_42 = tpu.memref_squeeze %dma_start3A_41 : memref<1x79x128xi32, #tpu.memory_space<hbm>> -> memref<79x128xi32, #tpu.memory_space<hbm>>
      tpu.enqueue_dma source(%dma_start3A_42 : memref<79x128xi32, #tpu.memory_space<hbm>>) target(%arg4 : memref<79x128xi32, #tpu.memory_space<vmem>>) target_semaphore(%run_scoped3A : memref<!tpu.dma_semaphore, #tpu.memory_space<semaphore_mem>>)
      %dma_wait3A = arith.constant 0 : i32
      %dma_wait3A_43 = arith.constant 0 : i32
      %dma_wait3A_44 = tpu.memref_slice %arg2[%add3A, %dma_wait3A, %dma_wait3A_43] : memref<32x79x128xi32, #tpu.memory_space<hbm>> -> memref<1x79x128xi32, #tpu.memory_space<hbm>>
      %dma_wait3A_45 = tpu.memref_squeeze %dma_wait3A_44 : memref<1x79x128xi32, #tpu.memory_space<hbm>> -> memref<79x128xi32, #tpu.memory_space<hbm>>
      %dma_wait3A_46 = arith.constant 0 : i32
      %dma_wait3A_47 = arith.constant 0 : i32
      %dma_wait3A_48 = tpu.memref_slice %arg2[%add3A, %dma_wait3A_46, %dma_wait3A_47] : memref<32x79x128xi32, #tpu.memory_space<hbm>> -> memref<1x79x128xi32, #tpu.memory_space<hbm>>
      %dma_wait3A_49 = tpu.memref_squeeze %dma_wait3A_48 : memref<1x79x128xi32, #tpu.memory_space<hbm>> -> memref<79x128xi32, #tpu.memory_space<hbm>>
      tpu.wait_dma2 semaphore(%run_scoped3A : memref<!tpu.dma_semaphore, #tpu.memory_space<semaphore_mem>>) src(%dma_wait3A_49 : memref<79x128xi32, #tpu.memory_space<hbm>>) dst(%arg4 : memref<79x128xi32, #tpu.memory_space<vmem>>)
      tpu.yield
    }) : () -> ()
    %broadcast_in_dim3A = arith.constant 0.000000e+00 : f32
    %broadcast_in_dim3A_1 = vector.broadcast %broadcast_in_dim3A : f32 to vector<16xf32>
    %scan3A = arith.constant 0 : i32
    %scan3A_2 = arith.constant 0 : i32
    %scan3A_3 = arith.constant 128 : i32
    %scan3A_4 = arith.addi %scan3A_2, %scan3A_3 : i32
    %scan3A_5 = arith.constant 1 : i32
    scf.for %scan3A_36 = %scan3A_2 to %scan3A_4 step %scan3A_5  : i32 {
      %swap3A = arith.index_cast %scan3A_36 : i32 to index
      %swap3A_37 = arith.constant 0 : index
      %swap3A_38 = tpu.vector_load %arg5[%swap3A, %swap3A_37] {strides = array<i32>} : memref<128x16xf32, #tpu.memory_space<vmem>>, vector<1x16xf32>,
      %swap3A_39 = vector.shape_cast %swap3A_38 : vector<1x16xf32> to vector<16xf32>
      %swap3A_40 = vector.shape_cast %broadcast_in_dim3A_1 : vector<16xf32> to vector<1x16xf32>
      tpu.vector_store %arg5[%swap3A, %swap3A_37], %swap3A_40 {strides = array<i32>} : memref<128x16xf32, #tpu.memory_space<vmem>>, vector<1x16xf32>,
    }
    %scan3A_6 = arith.constant 128 : i32
    %mul3A_7 = arith.constant 632 : i32
    %mul3A_8 = arith.muli %arg1, %mul3A_7 : i32
    %add3A_9 = arith.constant 0 : i32
    %add3A_10 = arith.addi %mul3A_8, %add3A_9 : i32
    "tpu.region"() ({
      %run_scoped3A = tpu.sem_alloc : memref<!tpu.dma_semaphore, #tpu.memory_space<semaphore_mem>>
      %dma_start3A = arith.constant 0 : i32
      %dma_start3A_36 = tpu.memref_slice %arg6[%add3A_10, %dma_start3A] : memref<10112x16xf32, #tpu.memory_space<vmem_shared>> -> memref<128x16xf32, #tpu.memory_space<vmem_shared>>
      %dma_start3A_37 = arith.constant 0 : i32
      %dma_start3A_38 = tpu.memref_slice %arg6[%add3A_10, %dma_start3A_37] : memref<10112x16xf32, #tpu.memory_space<vmem_shared>> -> memref<128x16xf32, #tpu.memory_space<vmem_shared>>
      tpu.enqueue_dma source(%arg5 : memref<128x16xf32, #tpu.memory_space<vmem>>) target(%dma_start3A_38 : memref<128x16xf32, #tpu.memory_space<vmem_shared>>) target_semaphore(%run_scoped3A : memref<!tpu.dma_semaphore, #tpu.memory_space<semaphore_mem>>)
      %dma_wait3A = arith.constant 0 : i32
      %dma_wait3A_39 = tpu.memref_slice %arg6[%add3A_10, %dma_wait3A] : memref<10112x16xf32, #tpu.memory_space<vmem_shared>> -> memref<128x16xf32, #tpu.memory_space<vmem_shared>>
      %dma_wait3A_40 = arith.constant 0 : i32
      %dma_wait3A_41 = tpu.memref_slice %arg6[%add3A_10, %dma_wait3A_40] : memref<10112x16xf32, #tpu.memory_space<vmem_shared>> -> memref<128x16xf32, #tpu.memory_space<vmem_shared>>
      tpu.wait_dma2 semaphore(%run_scoped3A : memref<!tpu.dma_semaphore, #tpu.memory_space<semaphore_mem>>) src(%arg5 : memref<128x16xf32, #tpu.memory_space<vmem>>) dst(%dma_wait3A_41 : memref<128x16xf32, #tpu.memory_space<vmem_shared>>)
      tpu.yield
    }) : () -> ()
    %add3A_11 = arith.constant 128 : i32
    %add3A_12 = arith.addi %mul3A_8, %add3A_11 : i32
    "tpu.region"() ({
      %run_scoped3A = tpu.sem_alloc : memref<!tpu.dma_semaphore, #tpu.memory_space<semaphore_mem>>
      %dma_start3A = arith.constant 0 : i32
      %dma_start3A_36 = tpu.memref_slice %arg6[%add3A_12, %dma_start3A] : memref<10112x16xf32, #tpu.memory_space<vmem_shared>> -> memref<128x16xf32, #tpu.memory_space<vmem_shared>>
      %dma_start3A_37 = arith.constant 0 : i32
      %dma_start3A_38 = tpu.memref_slice %arg6[%add3A_12, %dma_start3A_37] : memref<10112x16xf32, #tpu.memory_space<vmem_shared>> -> memref<128x16xf32, #tpu.memory_space<vmem_shared>>
      tpu.enqueue_dma source(%arg5 : memref<128x16xf32, #tpu.memory_space<vmem>>) target(%dma_start3A_38 : memref<128x16xf32, #tpu.memory_space<vmem_shared>>) target_semaphore(%run_scoped3A : memref<!tpu.dma_semaphore, #tpu.memory_space<semaphore_mem>>)
      %dma_wait3A = arith.constant 0 : i32
      %dma_wait3A_39 = tpu.memref_slice %arg6[%add3A_12, %dma_wait3A] : memref<10112x16xf32, #tpu.memory_space<vmem_shared>> -> memref<128x16xf32, #tpu.memory_space<vmem_shared>>
      %dma_wait3A_40 = arith.constant 0 : i32
      %dma_wait3A_41 = tpu.memref_slice %arg6[%add3A_12, %dma_wait3A_40] : memref<10112x16xf32, #tpu.memory_space<vmem_shared>> -> memref<128x16xf32, #tpu.memory_space<vmem_shared>>
      tpu.wait_dma2 semaphore(%run_scoped3A : memref<!tpu.dma_semaphore, #tpu.memory_space<semaphore_mem>>) src(%arg5 : memref<128x16xf32, #tpu.memory_space<vmem>>) dst(%dma_wait3A_41 : memref<128x16xf32, #tpu.memory_space<vmem_shared>>)
      tpu.yield
    }) : () -> ()
    %add3A_13 = arith.constant 256 : i32
    %add3A_14 = arith.addi %mul3A_8, %add3A_13 : i32
    "tpu.region"() ({
      %run_scoped3A = tpu.sem_alloc : memref<!tpu.dma_semaphore, #tpu.memory_space<semaphore_mem>>
      %dma_start3A = arith.constant 0 : i32
      %dma_start3A_36 = tpu.memref_slice %arg6[%add3A_14, %dma_start3A] : memref<10112x16xf32, #tpu.memory_space<vmem_shared>> -> memref<128x16xf32, #tpu.memory_space<vmem_shared>>
      %dma_start3A_37 = arith.constant 0 : i32
      %dma_start3A_38 = tpu.memref_slice %arg6[%add3A_14, %dma_start3A_37] : memref<10112x16xf32, #tpu.memory_space<vmem_shared>> -> memref<128x16xf32, #tpu.memory_space<vmem_shared>>
      tpu.enqueue_dma source(%arg5 : memref<128x16xf32, #tpu.memory_space<vmem>>) target(%dma_start3A_38 : memref<128x16xf32, #tpu.memory_space<vmem_shared>>) target_semaphore(%run_scoped3A : memref<!tpu.dma_semaphore, #tpu.memory_space<semaphore_mem>>)
      %dma_wait3A = arith.constant 0 : i32
      %dma_wait3A_39 = tpu.memref_slice %arg6[%add3A_14, %dma_wait3A] : memref<10112x16xf32, #tpu.memory_space<vmem_shared>> -> memref<128x16xf32, #tpu.memory_space<vmem_shared>>
      %dma_wait3A_40 = arith.constant 0 : i32
      %dma_wait3A_41 = tpu.memref_slice %arg6[%add3A_14, %dma_wait3A_40] : memref<10112x16xf32, #tpu.memory_space<vmem_shared>> -> memref<128x16xf32, #tpu.memory_space<vmem_shared>>
      tpu.wait_dma2 semaphore(%run_scoped3A : memref<!tpu.dma_semaphore, #tpu.memory_space<semaphore_mem>>) src(%arg5 : memref<128x16xf32, #tpu.memory_space<vmem>>) dst(%dma_wait3A_41 : memref<128x16xf32, #tpu.memory_space<vmem_shared>>)
      tpu.yield
    }) : () -> ()
    %add3A_15 = arith.constant 384 : i32
    %add3A_16 = arith.addi %mul3A_8, %add3A_15 : i32
    "tpu.region"() ({
      %run_scoped3A = tpu.sem_alloc : memref<!tpu.dma_semaphore, #tpu.memory_space<semaphore_mem>>
      %dma_start3A = arith.constant 0 : i32
      %dma_start3A_36 = tpu.memref_slice %arg6[%add3A_16, %dma_start3A] : memref<10112x16xf32, #tpu.memory_space<vmem_shared>> -> memref<128x16xf32, #tpu.memory_space<vmem_shared>>
      %dma_start3A_37 = arith.constant 0 : i32
      %dma_start3A_38 = tpu.memref_slice %arg6[%add3A_16, %dma_start3A_37] : memref<10112x16xf32, #tpu.memory_space<vmem_shared>> -> memref<128x16xf32, #tpu.memory_space<vmem_shared>>
      tpu.enqueue_dma source(%arg5 : memref<128x16xf32, #tpu.memory_space<vmem>>) target(%dma_start3A_38 : memref<128x16xf32, #tpu.memory_space<vmem_shared>>) target_semaphore(%run_scoped3A : memref<!tpu.dma_semaphore, #tpu.memory_space<semaphore_mem>>)
      %dma_wait3A = arith.constant 0 : i32
      %dma_wait3A_39 = tpu.memref_slice %arg6[%add3A_16, %dma_wait3A] : memref<10112x16xf32, #tpu.memory_space<vmem_shared>> -> memref<128x16xf32, #tpu.memory_space<vmem_shared>>
      %dma_wait3A_40 = arith.constant 0 : i32
      %dma_wait3A_41 = tpu.memref_slice %arg6[%add3A_16, %dma_wait3A_40] : memref<10112x16xf32, #tpu.memory_space<vmem_shared>> -> memref<128x16xf32, #tpu.memory_space<vmem_shared>>
      tpu.wait_dma2 semaphore(%run_scoped3A : memref<!tpu.dma_semaphore, #tpu.memory_space<semaphore_mem>>) src(%arg5 : memref<128x16xf32, #tpu.memory_space<vmem>>) dst(%dma_wait3A_41 : memref<128x16xf32, #tpu.memory_space<vmem_shared>>)
      tpu.yield
    }) : () -> ()
    %add3A_17 = arith.constant 512 : i32
    %add3A_18 = arith.addi %mul3A_8, %add3A_17 : i32
    "tpu.region"() ({
      %run_scoped3A = tpu.sem_alloc : memref<!tpu.dma_semaphore, #tpu.memory_space<semaphore_mem>>
      %dma_start3A = arith.constant 0 : i32
      %dma_start3A_36 = arith.constant 0 : i32
      %dma_start3A_37 = tpu.memref_slice %arg5[%dma_start3A, %dma_start3A_36] : memref<128x16xf32, #tpu.memory_space<vmem>> -> memref<120x16xf32, #tpu.memory_space<vmem>>
      %dma_start3A_38 = arith.constant 0 : i32
      %dma_start3A_39 = tpu.memref_slice %arg6[%add3A_18, %dma_start3A_38] : memref<10112x16xf32, #tpu.memory_space<vmem_shared>> -> memref<120x16xf32, #tpu.memory_space<vmem_shared>>
      %dma_start3A_40 = arith.constant 0 : i32
      %dma_start3A_41 = tpu.memref_slice %arg6[%add3A_18, %dma_start3A_40] : memref<10112x16xf32, #tpu.memory_space<vmem_shared>> -> memref<120x16xf32, #tpu.memory_space<vmem_shared>>
      %dma_start3A_42 = arith.constant 0 : i32
      %dma_start3A_43 = arith.constant 0 : i32
      %dma_start3A_44 = tpu.memref_slice %arg5[%dma_start3A_42, %dma_start3A_43] : memref<128x16xf32, #tpu.memory_space<vmem>> -> memref<120x16xf32, #tpu.memory_space<vmem>>
      tpu.enqueue_dma source(%dma_start3A_44 : memref<120x16xf32, #tpu.memory_space<vmem>>) target(%dma_start3A_41 : memref<120x16xf32, #tpu.memory_space<vmem_shared>>) target_semaphore(%run_scoped3A : memref<!tpu.dma_semaphore, #tpu.memory_space<semaphore_mem>>)
      %dma_wait3A = arith.constant 0 : i32
      %dma_wait3A_45 = arith.constant 0 : i32
      %dma_wait3A_46 = tpu.memref_slice %arg5[%dma_wait3A, %dma_wait3A_45] : memref<128x16xf32, #tpu.memory_space<vmem>> -> memref<120x16xf32, #tpu.memory_space<vmem>>
      %dma_wait3A_47 = arith.constant 0 : i32
      %dma_wait3A_48 = tpu.memref_slice %arg6[%add3A_18, %dma_wait3A_47] : memref<10112x16xf32, #tpu.memory_space<vmem_shared>> -> memref<120x16xf32, #tpu.memory_space<vmem_shared>>
      %dma_wait3A_49 = arith.constant 0 : i32
      %dma_wait3A_50 = tpu.memref_slice %arg6[%add3A_18, %dma_wait3A_49] : memref<10112x16xf32, #tpu.memory_space<vmem_shared>> -> memref<120x16xf32, #tpu.memory_space<vmem_shared>>
      %dma_wait3A_51 = arith.constant 0 : i32
      %dma_wait3A_52 = arith.constant 0 : i32
      %dma_wait3A_53 = tpu.memref_slice %arg5[%dma_wait3A_51, %dma_wait3A_52] : memref<128x16xf32, #tpu.memory_space<vmem>> -> memref<120x16xf32, #tpu.memory_space<vmem>>
      tpu.wait_dma2 semaphore(%run_scoped3A : memref<!tpu.dma_semaphore, #tpu.memory_space<semaphore_mem>>) src(%dma_wait3A_53 : memref<120x16xf32, #tpu.memory_space<vmem>>) dst(%dma_wait3A_50 : memref<120x16xf32, #tpu.memory_space<vmem_shared>>)
      tpu.yield
    }) : () -> ()
    %barrier3A = arith.constant 0 : index
    tpu.barrier barrier_id(%barrier3A)
    %broadcast_in_dim3A_19 = arith.constant 1.000000e+00 : f32
    %broadcast_in_dim3A_20 = vector.broadcast %broadcast_in_dim3A_19 : f32 to vector<16xf32>
    %scan3A_21 = arith.constant 0 : i32
    %scan3A_22 = arith.constant 0 : i32
    %scan3A_23 = arith.constant 128 : i32
    %scan3A_24 = arith.addi %scan3A_22, %scan3A_23 : i32
    %scan3A_25 = arith.constant 1 : i32
    scf.for %scan3A_36 = %scan3A_22 to %scan3A_24 step %scan3A_25  : i32 {
      %swap3A = arith.index_cast %scan3A_36 : i32 to index
      %swap3A_37 = arith.constant 0 : index
      %swap3A_38 = tpu.vector_load %arg5[%swap3A, %swap3A_37] {strides = array<i32>} : memref<128x16xf32, #tpu.memory_space<vmem>>, vector<1x16xf32>,
      %swap3A_39 = vector.shape_cast %swap3A_38 : vector<1x16xf32> to vector<16xf32>
      %swap3A_40 = vector.shape_cast %broadcast_in_dim3A_20 : vector<16xf32> to vector<1x16xf32>
      tpu.vector_store %arg5[%swap3A, %swap3A_37], %swap3A_40 {strides = array<i32>} : memref<128x16xf32, #tpu.memory_space<vmem>>, vector<1x16xf32>,
    }
    %scan3A_26 = arith.constant 128 : i32
    %scan3A_27 = arith.constant 0 : i32
    %scan3A_28 = arith.constant 0 : i32
    %scan3A_29 = arith.constant 79 : i32
    %scan3A_30 = arith.addi %scan3A_28, %scan3A_29 : i32
    %scan3A_31 = arith.constant 1 : i32
    scf.for %scan3A_36 = %scan3A_28 to %scan3A_30 step %scan3A_31  : i32 {
      "tpu.region"() ({
        %run_scoped3A = tpu.sem_alloc : memref<!tpu.dma_semaphore, #tpu.memory_space<semaphore_mem>>
        %dma_start3A = arith.constant 0 : i32
        %dma_start3A_37 = tpu.memref_slice %arg4[%scan3A_36, %dma_start3A] : memref<79x128xi32, #tpu.memory_space<vmem>> -> memref<1x128xi32, #tpu.memory_space<vmem>>
        %dma_start3A_38 = tpu.memref_squeeze %dma_start3A_37 : memref<1x128xi32, #tpu.memory_space<vmem>> -> memref<128xi32, #tpu.memory_space<vmem>>
        %dma_start3A_39 = arith.constant 0 : i32
        %dma_start3A_40 = arith.constant 0 : i32
        %dma_start3A_41 = tpu.memref_slice %arg6[%dma_start3A_39, %dma_start3A_40] : memref<10112x16xf32, #tpu.memory_space<vmem_shared>> -> memref<10112x16xf32, #tpu.memory_space<vmem_shared>>
        tpu.enqueue_indirect_dma source(%arg5 : memref<128x16xf32, #tpu.memory_space<vmem>>) target(%dma_start3A_41 : memref<10112x16xf32, #tpu.memory_space<vmem_shared>>) offsets(%dma_start3A_38 : memref<128xi32, #tpu.memory_space<vmem>>) semaphore(%run_scoped3A : memref<!tpu.dma_semaphore, #tpu.memory_space<semaphore_mem>>) {add = true}
        %dma_wait3A = arith.constant 0 : i32
        %dma_wait3A_42 = tpu.memref_slice %arg4[%scan3A_36, %dma_wait3A] : memref<79x128xi32, #tpu.memory_space<vmem>> -> memref<1x128xi32, #tpu.memory_space<vmem>>
        %dma_wait3A_43 = tpu.memref_squeeze %dma_wait3A_42 : memref<1x128xi32, #tpu.memory_space<vmem>> -> memref<128xi32, #tpu.memory_space<vmem>>
        %dma_wait3A_44 = arith.constant 0 : i32
        %dma_wait3A_45 = arith.constant 0 : i32
        %dma_wait3A_46 = tpu.memref_slice %arg6[%dma_wait3A_44, %dma_wait3A_45] : memref<10112x16xf32, #tpu.memory_space<vmem_shared>> -> memref<10112x16xf32, #tpu.memory_space<vmem_shared>>
        tpu.wait_indirect_dma semaphore(%run_scoped3A : memref<!tpu.dma_semaphore, #tpu.memory_space<semaphore_mem>>) src(%arg5 : memref<128x16xf32, #tpu.memory_space<vmem>>) dst(%dma_wait3A_46 : memref<10112x16xf32, #tpu.memory_space<vmem_shared>>)
        tpu.yield
      }) : () -> ()
    }
    %scan3A_32 = arith.constant 79 : i32
    %barrier3A_33 = arith.constant 0 : index
    tpu.barrier barrier_id(%barrier3A_33)
    %mul3A_34 = arith.constant 632 : i32
    %mul3A_35 = arith.muli %arg1, %mul3A_34 : i32
    "tpu.region"() ({
      %run_scoped3A = tpu.sem_alloc : memref<!tpu.dma_semaphore, #tpu.memory_space<semaphore_mem>>
      %dma_start3A = arith.constant 0 : i32
      %dma_start3A_36 = tpu.memref_slice %arg3[%arg0, %mul3A_35, %dma_start3A] : memref<2x10112x16xf32, #tpu.memory_space<hbm>> -> memref<1x632x16xf32, #tpu.memory_space<hbm>>
      %dma_start3A_37 = tpu.memref_squeeze %dma_start3A_36 : memref<1x632x16xf32, #tpu.memory_space<hbm>> -> memref<632x16xf32, #tpu.memory_space<hbm>>
      %dma_start3A_38 = arith.constant 0 : i32
      %dma_start3A_39 = tpu.memref_slice %arg6[%mul3A_35, %dma_start3A_38] : memref<10112x16xf32, #tpu.memory_space<vmem_shared>> -> memref<632x16xf32, #tpu.memory_space<vmem_shared>>
      tpu.enqueue_dma source(%dma_start3A_39 : memref<632x16xf32, #tpu.memory_space<vmem_shared>>) target(%dma_start3A_37 : memref<632x16xf32, #tpu.memory_space<hbm>>) target_semaphore(%run_scoped3A : memref<!tpu.dma_semaphore, #tpu.memory_space<semaphore_mem>>)
      %dma_wait3A = arith.constant 0 : i32
      %dma_wait3A_40 = tpu.memref_slice %arg3[%arg0, %mul3A_35, %dma_wait3A] : memref<2x10112x16xf32, #tpu.memory_space<hbm>> -> memref<1x632x16xf32, #tpu.memory_space<hbm>>
      %dma_wait3A_41 = tpu.memref_squeeze %dma_wait3A_40 : memref<1x632x16xf32, #tpu.memory_space<hbm>> -> memref<632x16xf32, #tpu.memory_space<hbm>>
      %dma_wait3A_42 = arith.constant 0 : i32
      %dma_wait3A_43 = tpu.memref_slice %arg6[%mul3A_35, %dma_wait3A_42] : memref<10112x16xf32, #tpu.memory_space<vmem_shared>> -> memref<632x16xf32, #tpu.memory_space<vmem_shared>>
      tpu.wait_dma2 semaphore(%run_scoped3A : memref<!tpu.dma_semaphore, #tpu.memory_space<semaphore_mem>>) src(%dma_wait3A_43 : memref<632x16xf32, #tpu.memory_space<vmem_shared>>) dst(%dma_wait3A_41 : memref<632x16xf32, #tpu.memory_space<hbm>>)
      tpu.yield
    }) : () -> ()
    return
  }
}

#map = affine_map<(d0, d1) -> (0, 0)>
#map1 = affine_map<(d0, d1) -> (0, 0, 0)>
module attributes {stable_mosaic.version = 14 : i64} {
  func.func @agg_kernel(%arg0: i32, %arg1: i32, %arg2: memref<10000x128xf32, #tpu.memory_space<hbm>>, %arg3: memref<32x79x128xi32, #tpu.memory_space<hbm>>, %arg4: memref<32x79x128xi32, #tpu.memory_space<hbm>>, %arg5: memref<2x10112x128xf32, #tpu.memory_space<hbm>>, %arg6: memref<79x128xi32, #tpu.memory_space<vmem>>, %arg7: memref<79x128xi32, #tpu.memory_space<vmem>>, %arg8: memref<128x128xf32, #tpu.memory_space<vmem>>, %arg9: memref<!tpu.dma_semaphore, #tpu.memory_space<semaphore_mem>>, %arg10: memref<10112x128xf32, #tpu.memory_space<vmem_shared>>) attributes {dimension_semantics = [#tpu.dimension_semantics<core_parallel>, #tpu.dimension_semantics<subcore_parallel>], iteration_bounds = array<i64: 2, 16>, scalar_prefetch = 0 : i64, scratch_operands = 5 : i64, tpu.core_type = #tpu.core_type<sc_vector_subcore>, window_params = [{transform_indices = #map}, {transform_indices = #map1}, {transform_indices = #map1}, {transform_indices = #map1}]} {
    %mul3A = arith.constant 16 : i32
    %mul3A_0 = arith.muli %arg0, %mul3A : i32
    %add3A = arith.addi %mul3A_0, %arg1 : i32
    %broadcast_in_dim3A = arith.constant 0.000000e+00 : f32
    %broadcast_in_dim3A_1 = vector.broadcast %broadcast_in_dim3A : f32 to vector<16xf32>
    %scan3A = arith.constant 0 : i32
    %scan3A_2 = arith.constant 0 : i32
    %scan3A_3 = arith.constant 128 : i32
    %scan3A_4 = arith.addi %scan3A_2, %scan3A_3 : i32
    %scan3A_5 = arith.constant 1 : i32
    scf.for %scan3A_28 = %scan3A_2 to %scan3A_4 step %scan3A_5  : i32 {
      %swap3A = arith.index_cast %scan3A_28 : i32 to index
      %swap3A_29 = arith.constant 0 : index
      %swap3A_30 = tpu.vector_load %arg8[%swap3A, %swap3A_29] {strides = array<i32>} : memref<128x128xf32, #tpu.memory_space<vmem>>, vector<1x16xf32>,
      %swap3A_31 = vector.shape_cast %swap3A_30 : vector<1x16xf32> to vector<16xf32>
      %swap3A_32 = vector.shape_cast %broadcast_in_dim3A_1 : vector<16xf32> to vector<1x16xf32>
      tpu.vector_store %arg8[%swap3A, %swap3A_29], %swap3A_32 {strides = array<i32>} : memref<128x128xf32, #tpu.memory_space<vmem>>, vector<1x16xf32>,
      %swap3A_33 = arith.index_cast %scan3A_28 : i32 to index
      %swap3A_34 = arith.constant 16 : index
      %swap3A_35 = tpu.vector_load %arg8[%swap3A_33, %swap3A_34] {strides = array<i32>} : memref<128x128xf32, #tpu.memory_space<vmem>>, vector<1x16xf32>,
      %swap3A_36 = vector.shape_cast %swap3A_35 : vector<1x16xf32> to vector<16xf32>
      %swap3A_37 = vector.shape_cast %broadcast_in_dim3A_1 : vector<16xf32> to vector<1x16xf32>
      tpu.vector_store %arg8[%swap3A_33, %swap3A_34], %swap3A_37 {strides = array<i32>} : memref<128x128xf32, #tpu.memory_space<vmem>>, vector<1x16xf32>,
      %swap3A_38 = arith.index_cast %scan3A_28 : i32 to index
      %swap3A_39 = arith.constant 32 : index
      %swap3A_40 = tpu.vector_load %arg8[%swap3A_38, %swap3A_39] {strides = array<i32>} : memref<128x128xf32, #tpu.memory_space<vmem>>, vector<1x16xf32>,
      %swap3A_41 = vector.shape_cast %swap3A_40 : vector<1x16xf32> to vector<16xf32>
      %swap3A_42 = vector.shape_cast %broadcast_in_dim3A_1 : vector<16xf32> to vector<1x16xf32>
      tpu.vector_store %arg8[%swap3A_38, %swap3A_39], %swap3A_42 {strides = array<i32>} : memref<128x128xf32, #tpu.memory_space<vmem>>, vector<1x16xf32>,
      %swap3A_43 = arith.index_cast %scan3A_28 : i32 to index
      %swap3A_44 = arith.constant 48 : index
      %swap3A_45 = tpu.vector_load %arg8[%swap3A_43, %swap3A_44] {strides = array<i32>} : memref<128x128xf32, #tpu.memory_space<vmem>>, vector<1x16xf32>,
      %swap3A_46 = vector.shape_cast %swap3A_45 : vector<1x16xf32> to vector<16xf32>
      %swap3A_47 = vector.shape_cast %broadcast_in_dim3A_1 : vector<16xf32> to vector<1x16xf32>
      tpu.vector_store %arg8[%swap3A_43, %swap3A_44], %swap3A_47 {strides = array<i32>} : memref<128x128xf32, #tpu.memory_space<vmem>>, vector<1x16xf32>,
      %swap3A_48 = arith.index_cast %scan3A_28 : i32 to index
      %swap3A_49 = arith.constant 64 : index
      %swap3A_50 = tpu.vector_load %arg8[%swap3A_48, %swap3A_49] {strides = array<i32>} : memref<128x128xf32, #tpu.memory_space<vmem>>, vector<1x16xf32>,
      %swap3A_51 = vector.shape_cast %swap3A_50 : vector<1x16xf32> to vector<16xf32>
      %swap3A_52 = vector.shape_cast %broadcast_in_dim3A_1 : vector<16xf32> to vector<1x16xf32>
      tpu.vector_store %arg8[%swap3A_48, %swap3A_49], %swap3A_52 {strides = array<i32>} : memref<128x128xf32, #tpu.memory_space<vmem>>, vector<1x16xf32>,
      %swap3A_53 = arith.index_cast %scan3A_28 : i32 to index
      %swap3A_54 = arith.constant 80 : index
      %swap3A_55 = tpu.vector_load %arg8[%swap3A_53, %swap3A_54] {strides = array<i32>} : memref<128x128xf32, #tpu.memory_space<vmem>>, vector<1x16xf32>,
      %swap3A_56 = vector.shape_cast %swap3A_55 : vector<1x16xf32> to vector<16xf32>
      %swap3A_57 = vector.shape_cast %broadcast_in_dim3A_1 : vector<16xf32> to vector<1x16xf32>
      tpu.vector_store %arg8[%swap3A_53, %swap3A_54], %swap3A_57 {strides = array<i32>} : memref<128x128xf32, #tpu.memory_space<vmem>>, vector<1x16xf32>,
      %swap3A_58 = arith.index_cast %scan3A_28 : i32 to index
      %swap3A_59 = arith.constant 96 : index
      %swap3A_60 = tpu.vector_load %arg8[%swap3A_58, %swap3A_59] {strides = array<i32>} : memref<128x128xf32, #tpu.memory_space<vmem>>, vector<1x16xf32>,
      %swap3A_61 = vector.shape_cast %swap3A_60 : vector<1x16xf32> to vector<16xf32>
      %swap3A_62 = vector.shape_cast %broadcast_in_dim3A_1 : vector<16xf32> to vector<1x16xf32>
      tpu.vector_store %arg8[%swap3A_58, %swap3A_59], %swap3A_62 {strides = array<i32>} : memref<128x128xf32, #tpu.memory_space<vmem>>, vector<1x16xf32>,
      %swap3A_63 = arith.index_cast %scan3A_28 : i32 to index
      %swap3A_64 = arith.constant 112 : index
      %swap3A_65 = tpu.vector_load %arg8[%swap3A_63, %swap3A_64] {strides = array<i32>} : memref<128x128xf32, #tpu.memory_space<vmem>>, vector<1x16xf32>,
      %swap3A_66 = vector.shape_cast %swap3A_65 : vector<1x16xf32> to vector<16xf32>
      %swap3A_67 = vector.shape_cast %broadcast_in_dim3A_1 : vector<16xf32> to vector<1x16xf32>
      tpu.vector_store %arg8[%swap3A_63, %swap3A_64], %swap3A_67 {strides = array<i32>} : memref<128x128xf32, #tpu.memory_space<vmem>>, vector<1x16xf32>,
    }
    %scan3A_6 = arith.constant 128 : i32
    %mul3A_7 = arith.constant 632 : i32
    %mul3A_8 = arith.muli %arg1, %mul3A_7 : i32
    %add3A_9 = arith.constant 0 : i32
    %add3A_10 = arith.addi %mul3A_8, %add3A_9 : i32
    "tpu.region"() ({
      %run_scoped3A = tpu.sem_alloc : memref<!tpu.dma_semaphore, #tpu.memory_space<semaphore_mem>>
      %dma_start3A = arith.constant 0 : i32
      %dma_start3A_28 = tpu.memref_slice %arg10[%add3A_10, %dma_start3A] : memref<10112x128xf32, #tpu.memory_space<vmem_shared>> -> memref<128x128xf32, #tpu.memory_space<vmem_shared>>
      %dma_start3A_29 = arith.constant 0 : i32
      %dma_start3A_30 = tpu.memref_slice %arg10[%add3A_10, %dma_start3A_29] : memref<10112x128xf32, #tpu.memory_space<vmem_shared>> -> memref<128x128xf32, #tpu.memory_space<vmem_shared>>
      tpu.enqueue_dma source(%arg8 : memref<128x128xf32, #tpu.memory_space<vmem>>) target(%dma_start3A_30 : memref<128x128xf32, #tpu.memory_space<vmem_shared>>) target_semaphore(%run_scoped3A : memref<!tpu.dma_semaphore, #tpu.memory_space<semaphore_mem>>)
      %dma_wait3A = arith.constant 0 : i32
      %dma_wait3A_31 = tpu.memref_slice %arg10[%add3A_10, %dma_wait3A] : memref<10112x128xf32, #tpu.memory_space<vmem_shared>> -> memref<128x128xf32, #tpu.memory_space<vmem_shared>>
      %dma_wait3A_32 = arith.constant 0 : i32
      %dma_wait3A_33 = tpu.memref_slice %arg10[%add3A_10, %dma_wait3A_32] : memref<10112x128xf32, #tpu.memory_space<vmem_shared>> -> memref<128x128xf32, #tpu.memory_space<vmem_shared>>
      tpu.wait_dma2 semaphore(%run_scoped3A : memref<!tpu.dma_semaphore, #tpu.memory_space<semaphore_mem>>) src(%arg8 : memref<128x128xf32, #tpu.memory_space<vmem>>) dst(%dma_wait3A_33 : memref<128x128xf32, #tpu.memory_space<vmem_shared>>)
      tpu.yield
    }) : () -> ()
    %add3A_11 = arith.constant 128 : i32
    %add3A_12 = arith.addi %mul3A_8, %add3A_11 : i32
    "tpu.region"() ({
      %run_scoped3A = tpu.sem_alloc : memref<!tpu.dma_semaphore, #tpu.memory_space<semaphore_mem>>
      %dma_start3A = arith.constant 0 : i32
      %dma_start3A_28 = tpu.memref_slice %arg10[%add3A_12, %dma_start3A] : memref<10112x128xf32, #tpu.memory_space<vmem_shared>> -> memref<128x128xf32, #tpu.memory_space<vmem_shared>>
      %dma_start3A_29 = arith.constant 0 : i32
      %dma_start3A_30 = tpu.memref_slice %arg10[%add3A_12, %dma_start3A_29] : memref<10112x128xf32, #tpu.memory_space<vmem_shared>> -> memref<128x128xf32, #tpu.memory_space<vmem_shared>>
      tpu.enqueue_dma source(%arg8 : memref<128x128xf32, #tpu.memory_space<vmem>>) target(%dma_start3A_30 : memref<128x128xf32, #tpu.memory_space<vmem_shared>>) target_semaphore(%run_scoped3A : memref<!tpu.dma_semaphore, #tpu.memory_space<semaphore_mem>>)
      %dma_wait3A = arith.constant 0 : i32
      %dma_wait3A_31 = tpu.memref_slice %arg10[%add3A_12, %dma_wait3A] : memref<10112x128xf32, #tpu.memory_space<vmem_shared>> -> memref<128x128xf32, #tpu.memory_space<vmem_shared>>
      %dma_wait3A_32 = arith.constant 0 : i32
      %dma_wait3A_33 = tpu.memref_slice %arg10[%add3A_12, %dma_wait3A_32] : memref<10112x128xf32, #tpu.memory_space<vmem_shared>> -> memref<128x128xf32, #tpu.memory_space<vmem_shared>>
      tpu.wait_dma2 semaphore(%run_scoped3A : memref<!tpu.dma_semaphore, #tpu.memory_space<semaphore_mem>>) src(%arg8 : memref<128x128xf32, #tpu.memory_space<vmem>>) dst(%dma_wait3A_33 : memref<128x128xf32, #tpu.memory_space<vmem_shared>>)
      tpu.yield
    }) : () -> ()
    %add3A_13 = arith.constant 256 : i32
    %add3A_14 = arith.addi %mul3A_8, %add3A_13 : i32
    "tpu.region"() ({
      %run_scoped3A = tpu.sem_alloc : memref<!tpu.dma_semaphore, #tpu.memory_space<semaphore_mem>>
      %dma_start3A = arith.constant 0 : i32
      %dma_start3A_28 = tpu.memref_slice %arg10[%add3A_14, %dma_start3A] : memref<10112x128xf32, #tpu.memory_space<vmem_shared>> -> memref<128x128xf32, #tpu.memory_space<vmem_shared>>
      %dma_start3A_29 = arith.constant 0 : i32
      %dma_start3A_30 = tpu.memref_slice %arg10[%add3A_14, %dma_start3A_29] : memref<10112x128xf32, #tpu.memory_space<vmem_shared>> -> memref<128x128xf32, #tpu.memory_space<vmem_shared>>
      tpu.enqueue_dma source(%arg8 : memref<128x128xf32, #tpu.memory_space<vmem>>) target(%dma_start3A_30 : memref<128x128xf32, #tpu.memory_space<vmem_shared>>) target_semaphore(%run_scoped3A : memref<!tpu.dma_semaphore, #tpu.memory_space<semaphore_mem>>)
      %dma_wait3A = arith.constant 0 : i32
      %dma_wait3A_31 = tpu.memref_slice %arg10[%add3A_14, %dma_wait3A] : memref<10112x128xf32, #tpu.memory_space<vmem_shared>> -> memref<128x128xf32, #tpu.memory_space<vmem_shared>>
      %dma_wait3A_32 = arith.constant 0 : i32
      %dma_wait3A_33 = tpu.memref_slice %arg10[%add3A_14, %dma_wait3A_32] : memref<10112x128xf32, #tpu.memory_space<vmem_shared>> -> memref<128x128xf32, #tpu.memory_space<vmem_shared>>
      tpu.wait_dma2 semaphore(%run_scoped3A : memref<!tpu.dma_semaphore, #tpu.memory_space<semaphore_mem>>) src(%arg8 : memref<128x128xf32, #tpu.memory_space<vmem>>) dst(%dma_wait3A_33 : memref<128x128xf32, #tpu.memory_space<vmem_shared>>)
      tpu.yield
    }) : () -> ()
    %add3A_15 = arith.constant 384 : i32
    %add3A_16 = arith.addi %mul3A_8, %add3A_15 : i32
    "tpu.region"() ({
      %run_scoped3A = tpu.sem_alloc : memref<!tpu.dma_semaphore, #tpu.memory_space<semaphore_mem>>
      %dma_start3A = arith.constant 0 : i32
      %dma_start3A_28 = tpu.memref_slice %arg10[%add3A_16, %dma_start3A] : memref<10112x128xf32, #tpu.memory_space<vmem_shared>> -> memref<128x128xf32, #tpu.memory_space<vmem_shared>>
      %dma_start3A_29 = arith.constant 0 : i32
      %dma_start3A_30 = tpu.memref_slice %arg10[%add3A_16, %dma_start3A_29] : memref<10112x128xf32, #tpu.memory_space<vmem_shared>> -> memref<128x128xf32, #tpu.memory_space<vmem_shared>>
      tpu.enqueue_dma source(%arg8 : memref<128x128xf32, #tpu.memory_space<vmem>>) target(%dma_start3A_30 : memref<128x128xf32, #tpu.memory_space<vmem_shared>>) target_semaphore(%run_scoped3A : memref<!tpu.dma_semaphore, #tpu.memory_space<semaphore_mem>>)
      %dma_wait3A = arith.constant 0 : i32
      %dma_wait3A_31 = tpu.memref_slice %arg10[%add3A_16, %dma_wait3A] : memref<10112x128xf32, #tpu.memory_space<vmem_shared>> -> memref<128x128xf32, #tpu.memory_space<vmem_shared>>
      %dma_wait3A_32 = arith.constant 0 : i32
      %dma_wait3A_33 = tpu.memref_slice %arg10[%add3A_16, %dma_wait3A_32] : memref<10112x128xf32, #tpu.memory_space<vmem_shared>> -> memref<128x128xf32, #tpu.memory_space<vmem_shared>>
      tpu.wait_dma2 semaphore(%run_scoped3A : memref<!tpu.dma_semaphore, #tpu.memory_space<semaphore_mem>>) src(%arg8 : memref<128x128xf32, #tpu.memory_space<vmem>>) dst(%dma_wait3A_33 : memref<128x128xf32, #tpu.memory_space<vmem_shared>>)
      tpu.yield
    }) : () -> ()
    %add3A_17 = arith.constant 512 : i32
    %add3A_18 = arith.addi %mul3A_8, %add3A_17 : i32
    "tpu.region"() ({
      %run_scoped3A = tpu.sem_alloc : memref<!tpu.dma_semaphore, #tpu.memory_space<semaphore_mem>>
      %dma_start3A = arith.constant 0 : i32
      %dma_start3A_28 = arith.constant 0 : i32
      %dma_start3A_29 = tpu.memref_slice %arg8[%dma_start3A, %dma_start3A_28] : memref<128x128xf32, #tpu.memory_space<vmem>> -> memref<120x128xf32, #tpu.memory_space<vmem>>
      %dma_start3A_30 = arith.constant 0 : i32
      %dma_start3A_31 = tpu.memref_slice %arg10[%add3A_18, %dma_start3A_30] : memref<10112x128xf32, #tpu.memory_space<vmem_shared>> -> memref<120x128xf32, #tpu.memory_space<vmem_shared>>
      %dma_start3A_32 = arith.constant 0 : i32
      %dma_start3A_33 = tpu.memref_slice %arg10[%add3A_18, %dma_start3A_32] : memref<10112x128xf32, #tpu.memory_space<vmem_shared>> -> memref<120x128xf32, #tpu.memory_space<vmem_shared>>
      %dma_start3A_34 = arith.constant 0 : i32
      %dma_start3A_35 = arith.constant 0 : i32
      %dma_start3A_36 = tpu.memref_slice %arg8[%dma_start3A_34, %dma_start3A_35] : memref<128x128xf32, #tpu.memory_space<vmem>> -> memref<120x128xf32, #tpu.memory_space<vmem>>
      tpu.enqueue_dma source(%dma_start3A_36 : memref<120x128xf32, #tpu.memory_space<vmem>>) target(%dma_start3A_33 : memref<120x128xf32, #tpu.memory_space<vmem_shared>>) target_semaphore(%run_scoped3A : memref<!tpu.dma_semaphore, #tpu.memory_space<semaphore_mem>>)
      %dma_wait3A = arith.constant 0 : i32
      %dma_wait3A_37 = arith.constant 0 : i32
      %dma_wait3A_38 = tpu.memref_slice %arg8[%dma_wait3A, %dma_wait3A_37] : memref<128x128xf32, #tpu.memory_space<vmem>> -> memref<120x128xf32, #tpu.memory_space<vmem>>
      %dma_wait3A_39 = arith.constant 0 : i32
      %dma_wait3A_40 = tpu.memref_slice %arg10[%add3A_18, %dma_wait3A_39] : memref<10112x128xf32, #tpu.memory_space<vmem_shared>> -> memref<120x128xf32, #tpu.memory_space<vmem_shared>>
      %dma_wait3A_41 = arith.constant 0 : i32
      %dma_wait3A_42 = tpu.memref_slice %arg10[%add3A_18, %dma_wait3A_41] : memref<10112x128xf32, #tpu.memory_space<vmem_shared>> -> memref<120x128xf32, #tpu.memory_space<vmem_shared>>
      %dma_wait3A_43 = arith.constant 0 : i32
      %dma_wait3A_44 = arith.constant 0 : i32
      %dma_wait3A_45 = tpu.memref_slice %arg8[%dma_wait3A_43, %dma_wait3A_44] : memref<128x128xf32, #tpu.memory_space<vmem>> -> memref<120x128xf32, #tpu.memory_space<vmem>>
      tpu.wait_dma2 semaphore(%run_scoped3A : memref<!tpu.dma_semaphore, #tpu.memory_space<semaphore_mem>>) src(%dma_wait3A_45 : memref<120x128xf32, #tpu.memory_space<vmem>>) dst(%dma_wait3A_42 : memref<120x128xf32, #tpu.memory_space<vmem_shared>>)
      tpu.yield
    }) : () -> ()
    %barrier3A = arith.constant 0 : index
    tpu.barrier barrier_id(%barrier3A)
    "tpu.region"() ({
      %run_scoped3A = tpu.sem_alloc : memref<!tpu.dma_semaphore, #tpu.memory_space<semaphore_mem>>
      %dma_start3A = arith.constant 0 : i32
      %dma_start3A_28 = arith.constant 0 : i32
      %dma_start3A_29 = tpu.memref_slice %arg3[%add3A, %dma_start3A, %dma_start3A_28] : memref<32x79x128xi32, #tpu.memory_space<hbm>> -> memref<1x79x128xi32, #tpu.memory_space<hbm>>
      %dma_start3A_30 = tpu.memref_squeeze %dma_start3A_29 : memref<1x79x128xi32, #tpu.memory_space<hbm>> -> memref<79x128xi32, #tpu.memory_space<hbm>>
      %dma_start3A_31 = arith.constant 0 : i32
      %dma_start3A_32 = arith.constant 0 : i32
      %dma_start3A_33 = tpu.memref_slice %arg3[%add3A, %dma_start3A_31, %dma_start3A_32] : memref<32x79x128xi32, #tpu.memory_space<hbm>> -> memref<1x79x128xi32, #tpu.memory_space<hbm>>
      %dma_start3A_34 = tpu.memref_squeeze %dma_start3A_33 : memref<1x79x128xi32, #tpu.memory_space<hbm>> -> memref<79x128xi32, #tpu.memory_space<hbm>>
      tpu.enqueue_dma source(%dma_start3A_34 : memref<79x128xi32, #tpu.memory_space<hbm>>) target(%arg6 : memref<79x128xi32, #tpu.memory_space<vmem>>) target_semaphore(%run_scoped3A : memref<!tpu.dma_semaphore, #tpu.memory_space<semaphore_mem>>)
      %dma_wait3A = arith.constant 0 : i32
      %dma_wait3A_35 = arith.constant 0 : i32
      %dma_wait3A_36 = tpu.memref_slice %arg3[%add3A, %dma_wait3A, %dma_wait3A_35] : memref<32x79x128xi32, #tpu.memory_space<hbm>> -> memref<1x79x128xi32, #tpu.memory_space<hbm>>
      %dma_wait3A_37 = tpu.memref_squeeze %dma_wait3A_36 : memref<1x79x128xi32, #tpu.memory_space<hbm>> -> memref<79x128xi32, #tpu.memory_space<hbm>>
      %dma_wait3A_38 = arith.constant 0 : i32
      %dma_wait3A_39 = arith.constant 0 : i32
      %dma_wait3A_40 = tpu.memref_slice %arg3[%add3A, %dma_wait3A_38, %dma_wait3A_39] : memref<32x79x128xi32, #tpu.memory_space<hbm>> -> memref<1x79x128xi32, #tpu.memory_space<hbm>>
      %dma_wait3A_41 = tpu.memref_squeeze %dma_wait3A_40 : memref<1x79x128xi32, #tpu.memory_space<hbm>> -> memref<79x128xi32, #tpu.memory_space<hbm>>
      tpu.wait_dma2 semaphore(%run_scoped3A : memref<!tpu.dma_semaphore, #tpu.memory_space<semaphore_mem>>) src(%dma_wait3A_41 : memref<79x128xi32, #tpu.memory_space<hbm>>) dst(%arg6 : memref<79x128xi32, #tpu.memory_space<vmem>>)
      tpu.yield
    }) : () -> ()
    "tpu.region"() ({
      %run_scoped3A = tpu.sem_alloc : memref<!tpu.dma_semaphore, #tpu.memory_space<semaphore_mem>>
      %dma_start3A = arith.constant 0 : i32
      %dma_start3A_28 = arith.constant 0 : i32
      %dma_start3A_29 = tpu.memref_slice %arg4[%add3A, %dma_start3A, %dma_start3A_28] : memref<32x79x128xi32, #tpu.memory_space<hbm>> -> memref<1x79x128xi32, #tpu.memory_space<hbm>>
      %dma_start3A_30 = tpu.memref_squeeze %dma_start3A_29 : memref<1x79x128xi32, #tpu.memory_space<hbm>> -> memref<79x128xi32, #tpu.memory_space<hbm>>
      %dma_start3A_31 = arith.constant 0 : i32
      %dma_start3A_32 = arith.constant 0 : i32
      %dma_start3A_33 = tpu.memref_slice %arg4[%add3A, %dma_start3A_31, %dma_start3A_32] : memref<32x79x128xi32, #tpu.memory_space<hbm>> -> memref<1x79x128xi32, #tpu.memory_space<hbm>>
      %dma_start3A_34 = tpu.memref_squeeze %dma_start3A_33 : memref<1x79x128xi32, #tpu.memory_space<hbm>> -> memref<79x128xi32, #tpu.memory_space<hbm>>
      tpu.enqueue_dma source(%dma_start3A_34 : memref<79x128xi32, #tpu.memory_space<hbm>>) target(%arg7 : memref<79x128xi32, #tpu.memory_space<vmem>>) target_semaphore(%run_scoped3A : memref<!tpu.dma_semaphore, #tpu.memory_space<semaphore_mem>>)
      %dma_wait3A = arith.constant 0 : i32
      %dma_wait3A_35 = arith.constant 0 : i32
      %dma_wait3A_36 = tpu.memref_slice %arg4[%add3A, %dma_wait3A, %dma_wait3A_35] : memref<32x79x128xi32, #tpu.memory_space<hbm>> -> memref<1x79x128xi32, #tpu.memory_space<hbm>>
      %dma_wait3A_37 = tpu.memref_squeeze %dma_wait3A_36 : memref<1x79x128xi32, #tpu.memory_space<hbm>> -> memref<79x128xi32, #tpu.memory_space<hbm>>
      %dma_wait3A_38 = arith.constant 0 : i32
      %dma_wait3A_39 = arith.constant 0 : i32
      %dma_wait3A_40 = tpu.memref_slice %arg4[%add3A, %dma_wait3A_38, %dma_wait3A_39] : memref<32x79x128xi32, #tpu.memory_space<hbm>> -> memref<1x79x128xi32, #tpu.memory_space<hbm>>
      %dma_wait3A_41 = tpu.memref_squeeze %dma_wait3A_40 : memref<1x79x128xi32, #tpu.memory_space<hbm>> -> memref<79x128xi32, #tpu.memory_space<hbm>>
      tpu.wait_dma2 semaphore(%run_scoped3A : memref<!tpu.dma_semaphore, #tpu.memory_space<semaphore_mem>>) src(%dma_wait3A_41 : memref<79x128xi32, #tpu.memory_space<hbm>>) dst(%arg7 : memref<79x128xi32, #tpu.memory_space<vmem>>)
      tpu.yield
    }) : () -> ()
    %scan3A_19 = arith.constant 0 : i32
    %scan3A_20 = arith.constant 0 : i32
    %scan3A_21 = arith.constant 79 : i32
    %scan3A_22 = arith.addi %scan3A_20, %scan3A_21 : i32
    %scan3A_23 = arith.constant 1 : i32
    scf.for %scan3A_28 = %scan3A_20 to %scan3A_22 step %scan3A_23  : i32 {
      %dma_start3A = arith.constant 0 : i32
      %dma_start3A_29 = tpu.memref_slice %arg7[%scan3A_28, %dma_start3A] : memref<79x128xi32, #tpu.memory_space<vmem>> -> memref<1x128xi32, #tpu.memory_space<vmem>>
      %dma_start3A_30 = tpu.memref_squeeze %dma_start3A_29 : memref<1x128xi32, #tpu.memory_space<vmem>> -> memref<128xi32, #tpu.memory_space<vmem>>
      %dma_start3A_31 = arith.constant 0 : i32
      %dma_start3A_32 = arith.constant 0 : i32
      %dma_start3A_33 = tpu.memref_slice %arg2[%dma_start3A_31, %dma_start3A_32] : memref<10000x128xf32, #tpu.memory_space<hbm>> -> memref<10000x128xf32, #tpu.memory_space<hbm>>
      tpu.enqueue_indirect_dma source(%dma_start3A_33 : memref<10000x128xf32, #tpu.memory_space<hbm>>) target(%arg8 : memref<128x128xf32, #tpu.memory_space<vmem>>) offsets(%dma_start3A_30 : memref<128xi32, #tpu.memory_space<vmem>>) semaphore(%arg9 : memref<!tpu.dma_semaphore, #tpu.memory_space<semaphore_mem>>)
      %dma_wait3A = arith.constant 0 : i32
      %dma_wait3A_34 = tpu.memref_slice %arg7[%scan3A_28, %dma_wait3A] : memref<79x128xi32, #tpu.memory_space<vmem>> -> memref<1x128xi32, #tpu.memory_space<vmem>>
      %dma_wait3A_35 = tpu.memref_squeeze %dma_wait3A_34 : memref<1x128xi32, #tpu.memory_space<vmem>> -> memref<128xi32, #tpu.memory_space<vmem>>
      %dma_wait3A_36 = arith.constant 0 : i32
      %dma_wait3A_37 = arith.constant 0 : i32
      %dma_wait3A_38 = tpu.memref_slice %arg2[%dma_wait3A_36, %dma_wait3A_37] : memref<10000x128xf32, #tpu.memory_space<hbm>> -> memref<10000x128xf32, #tpu.memory_space<hbm>>
      tpu.wait_indirect_dma semaphore(%arg9 : memref<!tpu.dma_semaphore, #tpu.memory_space<semaphore_mem>>) src(%dma_wait3A_38 : memref<10000x128xf32, #tpu.memory_space<hbm>>) dst(%arg8 : memref<128x128xf32, #tpu.memory_space<vmem>>)
      "tpu.region"() ({
        %run_scoped3A = tpu.sem_alloc : memref<!tpu.dma_semaphore, #tpu.memory_space<semaphore_mem>>
        %dma_start3A_39 = arith.constant 0 : i32
        %dma_start3A_40 = tpu.memref_slice %arg6[%scan3A_28, %dma_start3A_39] : memref<79x128xi32, #tpu.memory_space<vmem>> -> memref<1x128xi32, #tpu.memory_space<vmem>>
        %dma_start3A_41 = tpu.memref_squeeze %dma_start3A_40 : memref<1x128xi32, #tpu.memory_space<vmem>> -> memref<128xi32, #tpu.memory_space<vmem>>
        %dma_start3A_42 = arith.constant 0 : i32
        %dma_start3A_43 = arith.constant 0 : i32
        %dma_start3A_44 = tpu.memref_slice %arg10[%dma_start3A_42, %dma_start3A_43] : memref<10112x128xf32, #tpu.memory_space<vmem_shared>> -> memref<10112x128xf32, #tpu.memory_space<vmem_shared>>
        tpu.enqueue_indirect_dma source(%arg8 : memref<128x128xf32, #tpu.memory_space<vmem>>) target(%dma_start3A_44 : memref<10112x128xf32, #tpu.memory_space<vmem_shared>>) offsets(%dma_start3A_41 : memref<128xi32, #tpu.memory_space<vmem>>) semaphore(%run_scoped3A : memref<!tpu.dma_semaphore, #tpu.memory_space<semaphore_mem>>) {add = true}
        %dma_wait3A_45 = arith.constant 0 : i32
        %dma_wait3A_46 = tpu.memref_slice %arg6[%scan3A_28, %dma_wait3A_45] : memref<79x128xi32, #tpu.memory_space<vmem>> -> memref<1x128xi32, #tpu.memory_space<vmem>>
        %dma_wait3A_47 = tpu.memref_squeeze %dma_wait3A_46 : memref<1x128xi32, #tpu.memory_space<vmem>> -> memref<128xi32, #tpu.memory_space<vmem>>
        %dma_wait3A_48 = arith.constant 0 : i32
        %dma_wait3A_49 = arith.constant 0 : i32
        %dma_wait3A_50 = tpu.memref_slice %arg10[%dma_wait3A_48, %dma_wait3A_49] : memref<10112x128xf32, #tpu.memory_space<vmem_shared>> -> memref<10112x128xf32, #tpu.memory_space<vmem_shared>>
        tpu.wait_indirect_dma semaphore(%run_scoped3A : memref<!tpu.dma_semaphore, #tpu.memory_space<semaphore_mem>>) src(%arg8 : memref<128x128xf32, #tpu.memory_space<vmem>>) dst(%dma_wait3A_50 : memref<10112x128xf32, #tpu.memory_space<vmem_shared>>)
        tpu.yield
      }) : () -> ()
    }
    %scan3A_24 = arith.constant 79 : i32
    %barrier3A_25 = arith.constant 0 : index
    tpu.barrier barrier_id(%barrier3A_25)
    %mul3A_26 = arith.constant 632 : i32
    %mul3A_27 = arith.muli %arg1, %mul3A_26 : i32
    "tpu.region"() ({
      %run_scoped3A = tpu.sem_alloc : memref<!tpu.dma_semaphore, #tpu.memory_space<semaphore_mem>>
      %dma_start3A = arith.constant 0 : i32
      %dma_start3A_28 = tpu.memref_slice %arg5[%arg0, %mul3A_27, %dma_start3A] : memref<2x10112x128xf32, #tpu.memory_space<hbm>> -> memref<1x632x128xf32, #tpu.memory_space<hbm>>
      %dma_start3A_29 = tpu.memref_squeeze %dma_start3A_28 : memref<1x632x128xf32, #tpu.memory_space<hbm>> -> memref<632x128xf32, #tpu.memory_space<hbm>>
      %dma_start3A_30 = arith.constant 0 : i32
      %dma_start3A_31 = tpu.memref_slice %arg10[%mul3A_27, %dma_start3A_30] : memref<10112x128xf32, #tpu.memory_space<vmem_shared>> -> memref<632x128xf32, #tpu.memory_space<vmem_shared>>
      tpu.enqueue_dma source(%dma_start3A_31 : memref<632x128xf32, #tpu.memory_space<vmem_shared>>) target(%dma_start3A_29 : memref<632x128xf32, #tpu.memory_space<hbm>>) target_semaphore(%run_scoped3A : memref<!tpu.dma_semaphore, #tpu.memory_space<semaphore_mem>>)
      %dma_wait3A = arith.constant 0 : i32
      %dma_wait3A_32 = tpu.memref_slice %arg5[%arg0, %mul3A_27, %dma_wait3A] : memref<2x10112x128xf32, #tpu.memory_space<hbm>> -> memref<1x632x128xf32, #tpu.memory_space<hbm>>
      %dma_wait3A_33 = tpu.memref_squeeze %dma_wait3A_32 : memref<1x632x128xf32, #tpu.memory_space<hbm>> -> memref<632x128xf32, #tpu.memory_space<hbm>>
      %dma_wait3A_34 = arith.constant 0 : i32
      %dma_wait3A_35 = tpu.memref_slice %arg10[%mul3A_27, %dma_wait3A_34] : memref<10112x128xf32, #tpu.memory_space<vmem_shared>> -> memref<632x128xf32, #tpu.memory_space<vmem_shared>>
      tpu.wait_dma2 semaphore(%run_scoped3A : memref<!tpu.dma_semaphore, #tpu.memory_space<semaphore_mem>>) src(%dma_wait3A_35 : memref<632x128xf32, #tpu.memory_space<vmem_shared>>) dst(%dma_wait3A_33 : memref<632x128xf32, #tpu.memory_space<hbm>>)
      tpu.yield
    }) : () -> ()
    return
  }
}

module attributes {stable_mosaic.version = 14 : i64} {
  func.func @_scale_body(%arg0: i32, %arg1: memref<2x2000x16xf32, #tpu.memory_space<vmem>>, %arg2: memref<2000x128xf32, #tpu.memory_space<vmem>>, %arg3: memref<128x128xf32, #tpu.memory_space<vmem>>, %arg4: memref<2000x128xf32, #tpu.memory_space<vmem>>, %arg5: memref<2000x1xf32, #tpu.memory_space<vmem>>) attributes {dimension_semantics = [#tpu.dimension_semantics<arbitrary>], iteration_bounds = array<i64: 5>, scalar_prefetch = 0 : i64, scratch_operands = 0 : i64, tpu.core_type = #tpu.core_type<tc>, window_params = [{transform_indices = @transform_0, window_bounds = array<i64: 2, 2000, 16>}, {transform_indices = @transform_1, window_bounds = array<i64: 2000, 128>}, {pipeline_mode = #tpu.pipeline_mode<synchronous>, transform_indices = @transform_2, window_bounds = array<i64: 128, 128>}, {transform_indices = @transform_3, window_bounds = array<i64: 2000, 128>}, {transform_indices = @transform_4, window_bounds = array<i64: 2000, 1>}]} {
    %get3A = arith.constant 0 : index
    %get3A_0 = arith.constant 0 : index
    %get3A_1 = arith.constant 0 : index
    %get3A_2 = vector.load %arg1[%get3A, %get3A_0, %get3A_1] : memref<2x2000x16xf32, #tpu.memory_space<vmem>>, vector<2x2000x16xf32>
    %slice3A = vector.extract_strided_slice %get3A_2 {offsets = [0, 0, 0], sizes = [1, 2000, 1], strides = [1, 1, 1]} : vector<2x2000x16xf32> to vector<1x2000x1xf32>
    %squeeze3A = vector.shape_cast %slice3A : vector<1x2000x1xf32> to vector<2000x1xf32>
    %slice3A_3 = vector.extract_strided_slice %get3A_2 {offsets = [1, 0, 0], sizes = [1, 2000, 1], strides = [1, 1, 1]} : vector<2x2000x16xf32> to vector<1x2000x1xf32>
    %squeeze3A_4 = vector.shape_cast %slice3A_3 : vector<1x2000x1xf32> to vector<2000x1xf32>
    %add3A = arith.addf %squeeze3A, %squeeze3A_4 : vector<2000x1xf32>
    %add3A_5 = arith.constant 1.000000e+00 : f32
    %add3A_6 = vector.broadcast %add3A_5 : f32 to vector<2000x1xf32>
    %add3A_7 = arith.addf %add3A, %add3A_6 : vector<2000x1xf32>
    %jit3A = arith.constant 9.99999996E-13 : f32
    %max3A = vector.broadcast %jit3A : f32 to vector<2000x1xf32>
    %max3A_8 = arith.maximumf %max3A, %add3A_7 : vector<2000x1xf32>
    %rsqrt3A = math.rsqrt %max3A_8 : vector<2000x1xf32>
    %swap3A = arith.constant 0 : index
    %swap3A_9 = arith.constant 0 : index
    %swap3A_10 = vector.load %arg5[%swap3A, %swap3A_9] : memref<2000x1xf32, #tpu.memory_space<vmem>>, vector<2000x1xf32>
    tpu.vector_store %arg5[%swap3A, %swap3A_9], %rsqrt3A {strides = array<i32>} : memref<2000x1xf32, #tpu.memory_space<vmem>>, vector<2000x1xf32>,
    %get3A_11 = arith.constant 0 : index
    %get3A_12 = arith.constant 0 : index
    %get3A_13 = vector.load %arg2[%get3A_11, %get3A_12] : memref<2000x128xf32, #tpu.memory_space<vmem>>, vector<2000x128xf32>
    %get3A_14 = arith.constant 0 : index
    %get3A_15 = arith.constant 0 : index
    %get3A_16 = vector.load %arg3[%get3A_14, %get3A_15] : memref<128x128xf32, #tpu.memory_space<vmem>>, vector<128x128xf32>
    %dot_general3A = arith.constant dense<0.000000e+00> : vector<2000x128xf32>
    %dot_general3A_17 = tpu.matmul %get3A_13, %get3A_16, %dot_general3A {dimension_numbers = #tpu.dot_dimension_numbers<[1], [0], [0], [1], [0, 0, 1, 1], [], []>, transpose_lhs_hint = false} : vector<2000x128xf32>, vector<128x128xf32>, vector<2000x128xf32> -> vector<2000x128xf32>
    %mul3A = vector.broadcast %rsqrt3A : vector<2000x1xf32> to vector<2000x128xf32>
    %mul3A_18 = arith.mulf %dot_general3A_17, %mul3A : vector<2000x128xf32>
    %swap3A_19 = arith.constant 0 : index
    %swap3A_20 = arith.constant 0 : index
    %swap3A_21 = vector.load %arg4[%swap3A_19, %swap3A_20] : memref<2000x128xf32, #tpu.memory_space<vmem>>, vector<2000x128xf32>
    tpu.vector_store %arg4[%swap3A_19, %swap3A_20], %mul3A_18 {strides = array<i32>} : memref<2000x128xf32, #tpu.memory_space<vmem>>, vector<2000x128xf32>,
    return
  }
  func.func @transform_0(%arg0: i32) -> (i32, i32, i32) {
    %c0_i32 = arith.constant 0 : i32
    %c0_i32_0 = arith.constant 0 : i32
    %c0_i32_1 = arith.constant 0 : i32
    return %c0_i32, %arg0, %c0_i32_0 : i32, i32, i32
  }
  func.func @transform_1(%arg0: i32) -> (i32, i32) {
    %c0_i32 = arith.constant 0 : i32
    %c0_i32_0 = arith.constant 0 : i32
    return %arg0, %c0_i32 : i32, i32
  }
  func.func @transform_2(%arg0: i32) -> (i32, i32) {
    %c0_i32 = arith.constant 0 : i32
    %c0_i32_0 = arith.constant 0 : i32
    %c0_i32_1 = arith.constant 0 : i32
    return %c0_i32, %c0_i32_0 : i32, i32
  }
  func.func @transform_3(%arg0: i32) -> (i32, i32) {
    %c0_i32 = arith.constant 0 : i32
    %c0_i32_0 = arith.constant 0 : i32
    return %arg0, %c0_i32 : i32, i32
  }
  func.func @transform_4(%arg0: i32) -> (i32, i32) {
    %c0_i32 = arith.constant 0 : i32
    %c0_i32_0 = arith.constant 0 : i32
    return %arg0, %c0_i32 : i32, i32
  }
}

module attributes {stable_mosaic.version = 14 : i64} {
  func.func @_dense_body(%arg0: i32, %arg1: memref<2x2000x128xf32, #tpu.memory_space<vmem>>, %arg2: memref<2000x128xf32, #tpu.memory_space<vmem>>, %arg3: memref<2000x1xf32, #tpu.memory_space<vmem>>, %arg4: memref<1x64xf32, #tpu.memory_space<vmem>>, %arg5: memref<64x64xf32, #tpu.memory_space<vmem>>, %arg6: memref<1x64xf32, #tpu.memory_space<vmem>>, %arg7: memref<64x64xf32, #tpu.memory_space<vmem>>, %arg8: memref<1x64xf32, #tpu.memory_space<vmem>>, %arg9: memref<64x32xf32, #tpu.memory_space<vmem>>, %arg10: memref<1x32xf32, #tpu.memory_space<vmem>>, %arg11: memref<64x32xf32, #tpu.memory_space<vmem>>, %arg12: memref<1x32xf32, #tpu.memory_space<vmem>>, %arg13: memref<1x64xf32, #tpu.memory_space<vmem>>, %arg14: memref<64x32xf32, #tpu.memory_space<vmem>>, %arg15: memref<1x32xf32, #tpu.memory_space<vmem>>, %arg16: memref<2000x32xf32, #tpu.memory_space<vmem>>, %arg17: memref<1x32xf32, #tpu.memory_space<vmem>>, %arg18: memref<1x32xf32, #tpu.memory_space<vmem>>, %arg19: memref<10000x64xf32, #tpu.memory_space<vmem>>, %arg20: memref<1x64xf32, #tpu.memory_space<vmem>>) attributes {dimension_semantics = [#tpu.dimension_semantics<arbitrary>], iteration_bounds = array<i64: 10>, scalar_prefetch = 0 : i64, scratch_operands = 2 : i64, tpu.core_type = #tpu.core_type<tc>, window_params = [{transform_indices = @transform_0, window_bounds = array<i64: 2, 2000, 128>}, {transform_indices = @transform_1, window_bounds = array<i64: 2000, 128>}, {transform_indices = @transform_2, window_bounds = array<i64: 2000, 1>}, {pipeline_mode = #tpu.pipeline_mode<synchronous>, transform_indices = @transform_3, window_bounds = array<i64: 1, 64>}, {pipeline_mode = #tpu.pipeline_mode<synchronous>, transform_indices = @transform_4, window_bounds = array<i64: 64, 64>}, {pipeline_mode = #tpu.pipeline_mode<synchronous>, transform_indices = @transform_5, window_bounds = array<i64: 1, 64>}, {pipeline_mode = #tpu.pipeline_mode<synchronous>, transform_indices = @transform_6, window_bounds = array<i64: 64, 64>}, {pipeline_mode = #tpu.pipeline_mode<synchronous>, transform_indices = @transform_7, window_bounds = array<i64: 1, 64>}, {pipeline_mode = #tpu.pipeline_mode<synchronous>, transform_indices = @transform_8, window_bounds = array<i64: 64, 32>}, {pipeline_mode = #tpu.pipeline_mode<synchronous>, transform_indices = @transform_9, window_bounds = array<i64: 1, 32>}, {pipeline_mode = #tpu.pipeline_mode<synchronous>, transform_indices = @transform_10, window_bounds = array<i64: 64, 32>}, {pipeline_mode = #tpu.pipeline_mode<synchronous>, transform_indices = @transform_11, window_bounds = array<i64: 1, 32>}, {pipeline_mode = #tpu.pipeline_mode<synchronous>, transform_indices = @transform_12, window_bounds = array<i64: 1, 64>}, {pipeline_mode = #tpu.pipeline_mode<synchronous>, transform_indices = @transform_13, window_bounds = array<i64: 64, 32>}, {pipeline_mode = #tpu.pipeline_mode<synchronous>, transform_indices = @transform_14, window_bounds = array<i64: 1, 32>}, {transform_indices = @transform_15, window_bounds = array<i64: 2000, 32>}, {pipeline_mode = #tpu.pipeline_mode<synchronous>, transform_indices = @transform_16, window_bounds = array<i64: 1, 32>}, {pipeline_mode = #tpu.pipeline_mode<synchronous>, transform_indices = @transform_17, window_bounds = array<i64: 1, 32>}]} {
    %lt3A = arith.constant 5 : i32
    %lt3A_0 = arith.cmpi slt, %arg0, %lt3A : i32
    %convert_element_type3A = arith.extui %lt3A_0 : i1 to i32
    %cond3A = arith.constant 0 : i32
    %cond3A_1 = arith.cmpi ne, %convert_element_type3A, %cond3A : i32
    scf.if %cond3A_1 {
      %get3A = arith.constant 0 : index
      %get3A_6 = arith.constant 0 : index
      %get3A_7 = arith.constant 0 : index
      %get3A_8 = vector.load %arg1[%get3A, %get3A_6, %get3A_7] : memref<2x2000x128xf32, #tpu.memory_space<vmem>>, vector<2x2000x128xf32>
      %slice3A = vector.extract_strided_slice %get3A_8 {offsets = [0, 0, 0], sizes = [1, 2000, 128], strides = [1, 1, 1]} : vector<2x2000x128xf32> to vector<1x2000x128xf32>
      %squeeze3A = vector.shape_cast %slice3A : vector<1x2000x128xf32> to vector<2000x128xf32>
      %slice3A_9 = vector.extract_strided_slice %get3A_8 {offsets = [1, 0, 0], sizes = [1, 2000, 128], strides = [1, 1, 1]} : vector<2x2000x128xf32> to vector<1x2000x128xf32>
      %squeeze3A_10 = vector.shape_cast %slice3A_9 : vector<1x2000x128xf32> to vector<2000x128xf32>
      %add3A = arith.addf %squeeze3A, %squeeze3A_10 : vector<2000x128xf32>
      %get3A_11 = arith.constant 0 : index
      %get3A_12 = arith.constant 0 : index
      %get3A_13 = vector.load %arg2[%get3A_11, %get3A_12] : memref<2000x128xf32, #tpu.memory_space<vmem>>, vector<2000x128xf32>
      %add3A_14 = arith.addf %add3A, %get3A_13 : vector<2000x128xf32>
      %get3A_15 = arith.constant 0 : index
      %get3A_16 = arith.constant 0 : index
      %get3A_17 = vector.load %arg3[%get3A_15, %get3A_16] : memref<2000x1xf32, #tpu.memory_space<vmem>>, vector<2000x1xf32>
      %mul3A = vector.broadcast %get3A_17 : vector<2000x1xf32> to vector<2000x128xf32>
      %mul3A_18 = arith.mulf %add3A_14, %mul3A : vector<2000x128xf32>
      %slice3A_19 = vector.extract_strided_slice %mul3A_18 {offsets = [0, 0], sizes = [2000, 64], strides = [1, 1]} : vector<2000x128xf32> to vector<2000x64xf32>
      %get3A_20 = arith.constant 0 : index
      %get3A_21 = arith.constant 0 : index
      %get3A_22 = vector.load %arg4[%get3A_20, %get3A_21] : memref<1x64xf32, #tpu.memory_space<vmem>>, vector<1x64xf32>
      %add3A_23 = vector.broadcast %get3A_22 : vector<1x64xf32> to vector<2000x64xf32>
      %add3A_24 = arith.addf %slice3A_19, %add3A_23 : vector<2000x64xf32>
      %max3A = arith.constant 0.000000e+00 : f32
      %max3A_25 = vector.broadcast %max3A : f32 to vector<2000x64xf32>
      %max3A_26 = arith.maximumf %add3A_24, %max3A_25 : vector<2000x64xf32>
      %slice3A_27 = vector.extract_strided_slice %mul3A_18 {offsets = [0, 64], sizes = [2000, 64], strides = [1, 1]} : vector<2000x128xf32> to vector<2000x64xf32>
      %mul3A_28 = arith.constant 2000 : i32
      %mul3A_29 = arith.muli %arg0, %mul3A_28 : i32
      %swap3A = arith.index_cast %mul3A_29 : i32 to index
      %swap3A_30 = arith.constant 0 : index
      %swap3A_31 = vector.load %arg19[%swap3A, %swap3A_30] : memref<10000x64xf32, #tpu.memory_space<vmem>>, vector<2000x64xf32>
      tpu.vector_store %arg19[%swap3A, %swap3A_30], %slice3A_27 {strides = array<i32>} : memref<10000x64xf32, #tpu.memory_space<vmem>>, vector<2000x64xf32>,
      %reduce_sum3A = arith.constant dense<0.000000e+00> : vector<64xf32>
      %reduce_sum3A_32 = vector.multi_reduction <add>, %max3A_26, %reduce_sum3A [0] : vector<2000x64xf32> to vector<64xf32>
      %broadcast_in_dim3A = vector.shape_cast %reduce_sum3A_32 : vector<64xf32> to vector<1x64xf32>
      %eq3A = arith.constant 0 : i32
      %eq3A_33 = arith.cmpi eq, %arg0, %eq3A : i32
      %convert_element_type3A_34 = arith.extui %eq3A_33 : i1 to i32
      %cond3A_35 = arith.constant 0 : i32
      %cond3A_36 = arith.cmpi ne, %convert_element_type3A_34, %cond3A_35 : i32
      scf.if %cond3A_36 {
        %swap3A_41 = arith.constant 0 : index
        %swap3A_42 = arith.constant 0 : index
        %swap3A_43 = vector.load %arg20[%swap3A_41, %swap3A_42] : memref<1x64xf32, #tpu.memory_space<vmem>>, vector<1x64xf32>
        tpu.vector_store %arg20[%swap3A_41, %swap3A_42], %broadcast_in_dim3A {strides = array<i32>} : memref<1x64xf32, #tpu.memory_space<vmem>>, vector<1x64xf32>,
      } else {
      }
      %gt3A = arith.constant 0 : i32
      %gt3A_37 = arith.cmpi sgt, %arg0, %gt3A : i32
      %convert_element_type3A_38 = arith.extui %gt3A_37 : i1 to i32
      %cond3A_39 = arith.constant 0 : i32
      %cond3A_40 = arith.cmpi ne, %convert_element_type3A_38, %cond3A_39 : i32
      scf.if %cond3A_40 {
        %get3A_41 = arith.constant 0 : index
        %get3A_42 = arith.constant 0 : index
        %get3A_43 = vector.load %arg20[%get3A_41, %get3A_42] : memref<1x64xf32, #tpu.memory_space<vmem>>, vector<1x64xf32>
        %add3A_44 = arith.addf %get3A_43, %broadcast_in_dim3A : vector<1x64xf32>
        %swap3A_45 = arith.constant 0 : index
        %swap3A_46 = arith.constant 0 : index
        %swap3A_47 = vector.load %arg20[%swap3A_45, %swap3A_46] : memref<1x64xf32, #tpu.memory_space<vmem>>, vector<1x64xf32>
        tpu.vector_store %arg20[%swap3A_45, %swap3A_46], %add3A_44 {strides = array<i32>} : memref<1x64xf32, #tpu.memory_space<vmem>>, vector<1x64xf32>,
      } else {
      }
    } else {
    }
    %ge3A = arith.constant 5 : i32
    %ge3A_2 = arith.cmpi sge, %arg0, %ge3A : i32
    %convert_element_type3A_3 = arith.extui %ge3A_2 : i1 to i32
    %cond3A_4 = arith.constant 0 : i32
    %cond3A_5 = arith.cmpi ne, %convert_element_type3A_3, %cond3A_4 : i32
    scf.if %cond3A_5 {
      %get3A = arith.constant 0 : index
      %get3A_6 = arith.constant 0 : index
      %get3A_7 = vector.load %arg20[%get3A, %get3A_6] : memref<1x64xf32, #tpu.memory_space<vmem>>, vector<1x64xf32>
      %get3A_8 = arith.constant 0 : index
      %get3A_9 = arith.constant 0 : index
      %get3A_10 = vector.load %arg5[%get3A_8, %get3A_9] : memref<64x64xf32, #tpu.memory_space<vmem>>, vector<64x64xf32>
      %dot_general3A = arith.constant dense<0.000000e+00> : vector<1x64xf32>
      %dot_general3A_11 = tpu.matmul %get3A_7, %get3A_10, %dot_general3A {dimension_numbers = #tpu.dot_dimension_numbers<[1], [0], [0], [1], [0, 0, 1, 1], [], []>, transpose_lhs_hint = false} : vector<1x64xf32>, vector<64x64xf32>, vector<1x64xf32> -> vector<1x64xf32>
      %get3A_12 = arith.constant 0 : index
      %get3A_13 = arith.constant 0 : index
      %get3A_14 = vector.load %arg6[%get3A_12, %get3A_13] : memref<1x64xf32, #tpu.memory_space<vmem>>, vector<1x64xf32>
      %add3A = arith.addf %dot_general3A_11, %get3A_14 : vector<1x64xf32>
      %tanh3A = math.tanh %add3A : vector<1x64xf32>
      %get3A_15 = arith.constant 0 : index
      %get3A_16 = arith.constant 0 : index
      %get3A_17 = vector.load %arg7[%get3A_15, %get3A_16] : memref<64x64xf32, #tpu.memory_space<vmem>>, vector<64x64xf32>
      %dot_general3A_18 = arith.constant dense<0.000000e+00> : vector<1x64xf32>
      %dot_general3A_19 = tpu.matmul %get3A_7, %get3A_17, %dot_general3A_18 {dimension_numbers = #tpu.dot_dimension_numbers<[1], [0], [0], [1], [0, 0, 1, 1], [], []>, transpose_lhs_hint = false} : vector<1x64xf32>, vector<64x64xf32>, vector<1x64xf32> -> vector<1x64xf32>
      %get3A_20 = arith.constant 0 : index
      %get3A_21 = arith.constant 0 : index
      %get3A_22 = vector.load %arg8[%get3A_20, %get3A_21] : memref<1x64xf32, #tpu.memory_space<vmem>>, vector<1x64xf32>
      %add3A_23 = arith.addf %dot_general3A_19, %get3A_22 : vector<1x64xf32>
      %tanh3A_24 = math.tanh %add3A_23 : vector<1x64xf32>
      %get3A_25 = arith.constant 0 : index
      %get3A_26 = arith.constant 0 : index
      %get3A_27 = vector.load %arg9[%get3A_25, %get3A_26] : memref<64x32xf32, #tpu.memory_space<vmem>>, vector<64x32xf32>
      %dot_general3A_28 = arith.constant dense<0.000000e+00> : vector<1x32xf32>
      %dot_general3A_29 = tpu.matmul %get3A_7, %get3A_27, %dot_general3A_28 {dimension_numbers = #tpu.dot_dimension_numbers<[1], [0], [0], [1], [0, 0, 1, 1], [], []>, transpose_lhs_hint = false} : vector<1x64xf32>, vector<64x32xf32>, vector<1x32xf32> -> vector<1x32xf32>
      %get3A_30 = arith.constant 0 : index
      %get3A_31 = arith.constant 0 : index
      %get3A_32 = vector.load %arg10[%get3A_30, %get3A_31] : memref<1x32xf32, #tpu.memory_space<vmem>>, vector<1x32xf32>
      %add3A_33 = arith.addf %dot_general3A_29, %get3A_32 : vector<1x32xf32>
      %tanh3A_34 = math.tanh %add3A_33 : vector<1x32xf32>
      %get3A_35 = arith.constant 0 : index
      %get3A_36 = arith.constant 0 : index
      %get3A_37 = vector.load %arg11[%get3A_35, %get3A_36] : memref<64x32xf32, #tpu.memory_space<vmem>>, vector<64x32xf32>
      %dot_general3A_38 = arith.constant dense<0.000000e+00> : vector<1x32xf32>
      %dot_general3A_39 = tpu.matmul %get3A_7, %get3A_37, %dot_general3A_38 {dimension_numbers = #tpu.dot_dimension_numbers<[1], [0], [0], [1], [0, 0, 1, 1], [], []>, transpose_lhs_hint = false} : vector<1x64xf32>, vector<64x32xf32>, vector<1x32xf32> -> vector<1x32xf32>
      %get3A_40 = arith.constant 0 : index
      %get3A_41 = arith.constant 0 : index
      %get3A_42 = vector.load %arg12[%get3A_40, %get3A_41] : memref<1x32xf32, #tpu.memory_space<vmem>>, vector<1x32xf32>
      %add3A_43 = arith.addf %dot_general3A_39, %get3A_42 : vector<1x32xf32>
      %tanh3A_44 = math.tanh %add3A_43 : vector<1x32xf32>
      %sub3A = arith.constant 5 : i32
      %sub3A_45 = arith.subi %arg0, %sub3A : i32
      %mul3A = arith.constant 2000 : i32
      %mul3A_46 = arith.muli %sub3A_45, %mul3A : i32
      %get3A_47 = arith.index_cast %mul3A_46 : i32 to index
      %get3A_48 = arith.constant 0 : index
      %get3A_49 = vector.load %arg19[%get3A_47, %get3A_48] : memref<10000x64xf32, #tpu.memory_space<vmem>>, vector<2000x64xf32>
      %mul3A_50 = vector.broadcast %tanh3A : vector<1x64xf32> to vector<2000x64xf32>
      %mul3A_51 = arith.mulf %mul3A_50, %get3A_49 : vector<2000x64xf32>
      %add3A_52 = vector.broadcast %tanh3A_24 : vector<1x64xf32> to vector<2000x64xf32>
      %add3A_53 = arith.addf %mul3A_51, %add3A_52 : vector<2000x64xf32>
      %get3A_54 = arith.constant 0 : index
      %get3A_55 = arith.constant 0 : index
      %get3A_56 = vector.load %arg13[%get3A_54, %get3A_55] : memref<1x64xf32, #tpu.memory_space<vmem>>, vector<1x64xf32>
      %add3A_57 = vector.broadcast %get3A_56 : vector<1x64xf32> to vector<2000x64xf32>
      %add3A_58 = arith.addf %add3A_53, %add3A_57 : vector<2000x64xf32>
      %max3A = arith.constant 0.000000e+00 : f32
      %max3A_59 = vector.broadcast %max3A : f32 to vector<2000x64xf32>
      %max3A_60 = arith.maximumf %add3A_58, %max3A_59 : vector<2000x64xf32>
      %get3A_61 = arith.constant 0 : index
      %get3A_62 = arith.constant 0 : index
      %get3A_63 = vector.load %arg3[%get3A_61, %get3A_62] : memref<2000x1xf32, #tpu.memory_space<vmem>>, vector<2000x1xf32>
      %get3A_64 = arith.constant 0 : index
      %get3A_65 = arith.constant 0 : index
      %get3A_66 = vector.load %arg14[%get3A_64, %get3A_65] : memref<64x32xf32, #tpu.memory_space<vmem>>, vector<64x32xf32>
      %dot_general3A_67 = arith.constant dense<0.000000e+00> : vector<2000x32xf32>
      %dot_general3A_68 = tpu.matmul %max3A_60, %get3A_66, %dot_general3A_67 {dimension_numbers = #tpu.dot_dimension_numbers<[1], [0], [0], [1], [0, 0, 1, 1], [], []>, transpose_lhs_hint = false} : vector<2000x64xf32>, vector<64x32xf32>, vector<2000x32xf32> -> vector<2000x32xf32>
      %mul3A_69 = vector.broadcast %get3A_63 : vector<2000x1xf32> to vector<2000x32xf32>
      %mul3A_70 = arith.mulf %mul3A_69, %dot_general3A_68 : vector<2000x32xf32>
      %swap3A = arith.constant 0 : index
      %swap3A_71 = arith.constant 0 : index
      %swap3A_72 = vector.load %arg16[%swap3A, %swap3A_71] : memref<2000x32xf32, #tpu.memory_space<vmem>>, vector<2000x32xf32>
      tpu.vector_store %arg16[%swap3A, %swap3A_71], %mul3A_70 {strides = array<i32>} : memref<2000x32xf32, #tpu.memory_space<vmem>>, vector<2000x32xf32>,
      %swap3A_73 = arith.constant 0 : index
      %swap3A_74 = arith.constant 0 : index
      %swap3A_75 = vector.load %arg17[%swap3A_73, %swap3A_74] : memref<1x32xf32, #tpu.memory_space<vmem>>, vector<1x32xf32>
      tpu.vector_store %arg17[%swap3A_73, %swap3A_74], %tanh3A_34 {strides = array<i32>} : memref<1x32xf32, #tpu.memory_space<vmem>>, vector<1x32xf32>,
      %get3A_76 = arith.constant 0 : index
      %get3A_77 = arith.constant 0 : index
      %get3A_78 = vector.load %arg15[%get3A_76, %get3A_77] : memref<1x32xf32, #tpu.memory_space<vmem>>, vector<1x32xf32>
      %add3A_79 = arith.addf %tanh3A_44, %get3A_78 : vector<1x32xf32>
      %swap3A_80 = arith.constant 0 : index
      %swap3A_81 = arith.constant 0 : index
      %swap3A_82 = vector.load %arg18[%swap3A_80, %swap3A_81] : memref<1x32xf32, #tpu.memory_space<vmem>>, vector<1x32xf32>
      tpu.vector_store %arg18[%swap3A_80, %swap3A_81], %add3A_79 {strides = array<i32>} : memref<1x32xf32, #tpu.memory_space<vmem>>, vector<1x32xf32>,
    } else {
    }
    return
  }
  func.func @transform_0(%arg0: i32) -> (i32, i32, i32) {
    %lt3A = arith.constant 5 : i32
    %lt3A_0 = arith.cmpi slt, %arg0, %lt3A : i32
    %sub3A = arith.constant 5 : i32
    %sub3A_1 = arith.subi %arg0, %sub3A : i32
    %select_n3A = arith.select %lt3A_0, %arg0, %sub3A_1 : i32
    %c0_i32 = arith.constant 0 : i32
    %c0_i32_2 = arith.constant 0 : i32
    %c0_i32_3 = arith.constant 0 : i32
    return %c0_i32, %select_n3A, %c0_i32_2 : i32, i32, i32
  }
  func.func @transform_1(%arg0: i32) -> (i32, i32) {
    %lt3A = arith.constant 5 : i32
    %lt3A_0 = arith.cmpi slt, %arg0, %lt3A : i32
    %sub3A = arith.constant 5 : i32
    %sub3A_1 = arith.subi %arg0, %sub3A : i32
    %select_n3A = arith.select %lt3A_0, %arg0, %sub3A_1 : i32
    %c0_i32 = arith.constant 0 : i32
    %c0_i32_2 = arith.constant 0 : i32
    return %select_n3A, %c0_i32 : i32, i32
  }
  func.func @transform_2(%arg0: i32) -> (i32, i32) {
    %lt3A = arith.constant 5 : i32
    %lt3A_0 = arith.cmpi slt, %arg0, %lt3A : i32
    %sub3A = arith.constant 5 : i32
    %sub3A_1 = arith.subi %arg0, %sub3A : i32
    %select_n3A = arith.select %lt3A_0, %arg0, %sub3A_1 : i32
    %c0_i32 = arith.constant 0 : i32
    %c0_i32_2 = arith.constant 0 : i32
    return %select_n3A, %c0_i32 : i32, i32
  }
  func.func @transform_3(%arg0: i32) -> (i32, i32) {
    %c0_i32 = arith.constant 0 : i32
    %c0_i32_0 = arith.constant 0 : i32
    %c0_i32_1 = arith.constant 0 : i32
    return %c0_i32, %c0_i32_0 : i32, i32
  }
  func.func @transform_4(%arg0: i32) -> (i32, i32) {
    %c0_i32 = arith.constant 0 : i32
    %c0_i32_0 = arith.constant 0 : i32
    %c0_i32_1 = arith.constant 0 : i32
    return %c0_i32, %c0_i32_0 : i32, i32
  }
  func.func @transform_5(%arg0: i32) -> (i32, i32) {
    %c0_i32 = arith.constant 0 : i32
    %c0_i32_0 = arith.constant 0 : i32
    %c0_i32_1 = arith.constant 0 : i32
    return %c0_i32, %c0_i32_0 : i32, i32
  }
  func.func @transform_6(%arg0: i32) -> (i32, i32) {
    %c0_i32 = arith.constant 0 : i32
    %c0_i32_0 = arith.constant 0 : i32
    %c0_i32_1 = arith.constant 0 : i32
    return %c0_i32, %c0_i32_0 : i32, i32
  }
  func.func @transform_7(%arg0: i32) -> (i32, i32) {
    %c0_i32 = arith.constant 0 : i32
    %c0_i32_0 = arith.constant 0 : i32
    %c0_i32_1 = arith.constant 0 : i32
    return %c0_i32, %c0_i32_0 : i32, i32
  }
  func.func @transform_8(%arg0: i32) -> (i32, i32) {
    %c0_i32 = arith.constant 0 : i32
    %c0_i32_0 = arith.constant 0 : i32
    %c0_i32_1 = arith.constant 0 : i32
    return %c0_i32, %c0_i32_0 : i32, i32
  }
  func.func @transform_9(%arg0: i32) -> (i32, i32) {
    %c0_i32 = arith.constant 0 : i32
    %c0_i32_0 = arith.constant 0 : i32
    %c0_i32_1 = arith.constant 0 : i32
    return %c0_i32, %c0_i32_0 : i32, i32
  }
  func.func @transform_10(%arg0: i32) -> (i32, i32) {
    %c0_i32 = arith.constant 0 : i32
    %c0_i32_0 = arith.constant 0 : i32
    %c0_i32_1 = arith.constant 0 : i32
    return %c0_i32, %c0_i32_0 : i32, i32
  }
  func.func @transform_11(%arg0: i32) -> (i32, i32) {
    %c0_i32 = arith.constant 0 : i32
    %c0_i32_0 = arith.constant 0 : i32
    %c0_i32_1 = arith.constant 0 : i32
    return %c0_i32, %c0_i32_0 : i32, i32
  }
  func.func @transform_12(%arg0: i32) -> (i32, i32) {
    %c0_i32 = arith.constant 0 : i32
    %c0_i32_0 = arith.constant 0 : i32
    %c0_i32_1 = arith.constant 0 : i32
    return %c0_i32, %c0_i32_0 : i32, i32
  }
  func.func @transform_13(%arg0: i32) -> (i32, i32) {
    %c0_i32 = arith.constant 0 : i32
    %c0_i32_0 = arith.constant 0 : i32
    %c0_i32_1 = arith.constant 0 : i32
    return %c0_i32, %c0_i32_0 : i32, i32
  }
  func.func @transform_14(%arg0: i32) -> (i32, i32) {
    %c0_i32 = arith.constant 0 : i32
    %c0_i32_0 = arith.constant 0 : i32
    %c0_i32_1 = arith.constant 0 : i32
    return %c0_i32, %c0_i32_0 : i32, i32
  }
  func.func @transform_15(%arg0: i32) -> (i32, i32) {
    %lt3A = arith.constant 5 : i32
    %lt3A_0 = arith.cmpi slt, %arg0, %lt3A : i32
    %sub3A = arith.constant 5 : i32
    %sub3A_1 = arith.subi %arg0, %sub3A : i32
    %select_n3A = arith.select %lt3A_0, %arg0, %sub3A_1 : i32
    %c0_i32 = arith.constant 0 : i32
    %c0_i32_2 = arith.constant 0 : i32
    return %select_n3A, %c0_i32 : i32, i32
  }
  func.func @transform_16(%arg0: i32) -> (i32, i32) {
    %c0_i32 = arith.constant 0 : i32
    %c0_i32_0 = arith.constant 0 : i32
    %c0_i32_1 = arith.constant 0 : i32
    return %c0_i32, %c0_i32_0 : i32, i32
  }
  func.func @transform_17(%arg0: i32) -> (i32, i32) {
    %c0_i32 = arith.constant 0 : i32
    %c0_i32_0 = arith.constant 0 : i32
    %c0_i32_1 = arith.constant 0 : i32
    return %c0_i32, %c0_i32_0 : i32, i32
  }
}

module attributes {stable_mosaic.version = 14 : i64} {
  func.func @_epilogue_body(%arg0: i32, %arg1: memref<2x10000x32xf32, #tpu.memory_space<vmem>>, %arg2: memref<10000x32xf32, #tpu.memory_space<vmem>>, %arg3: memref<10000x1xf32, #tpu.memory_space<vmem>>, %arg4: memref<1x32xf32, #tpu.memory_space<vmem>>, %arg5: memref<1x32xf32, #tpu.memory_space<vmem>>, %arg6: memref<10000x32xf32, #tpu.memory_space<vmem>>) attributes {dimension_semantics = [#tpu.dimension_semantics<arbitrary>], iteration_bounds = array<i64: 1>, scalar_prefetch = 0 : i64, scratch_operands = 0 : i64, tpu.core_type = #tpu.core_type<tc>, window_params = [{transform_indices = @transform_0, window_bounds = array<i64: 2, 10000, 32>}, {pipeline_mode = #tpu.pipeline_mode<synchronous>, transform_indices = @transform_1, window_bounds = array<i64: 10000, 32>}, {pipeline_mode = #tpu.pipeline_mode<synchronous>, transform_indices = @transform_2, window_bounds = array<i64: 10000, 1>}, {pipeline_mode = #tpu.pipeline_mode<synchronous>, transform_indices = @transform_3, window_bounds = array<i64: 1, 32>}, {pipeline_mode = #tpu.pipeline_mode<synchronous>, transform_indices = @transform_4, window_bounds = array<i64: 1, 32>}, {pipeline_mode = #tpu.pipeline_mode<synchronous>, transform_indices = @transform_5, window_bounds = array<i64: 10000, 32>}]} {
    %get3A = arith.constant 0 : index
    %get3A_0 = arith.constant 0 : index
    %get3A_1 = arith.constant 0 : index
    %get3A_2 = vector.load %arg1[%get3A, %get3A_0, %get3A_1] : memref<2x10000x32xf32, #tpu.memory_space<vmem>>, vector<2x10000x32xf32>
    %slice3A = vector.extract_strided_slice %get3A_2 {offsets = [0, 0, 0], sizes = [1, 10000, 32], strides = [1, 1, 1]} : vector<2x10000x32xf32> to vector<1x10000x32xf32>
    %squeeze3A = vector.shape_cast %slice3A : vector<1x10000x32xf32> to vector<10000x32xf32>
    %slice3A_3 = vector.extract_strided_slice %get3A_2 {offsets = [1, 0, 0], sizes = [1, 10000, 32], strides = [1, 1, 1]} : vector<2x10000x32xf32> to vector<1x10000x32xf32>
    %squeeze3A_4 = vector.shape_cast %slice3A_3 : vector<1x10000x32xf32> to vector<10000x32xf32>
    %add3A = arith.addf %squeeze3A, %squeeze3A_4 : vector<10000x32xf32>
    %get3A_5 = arith.constant 0 : index
    %get3A_6 = arith.constant 0 : index
    %get3A_7 = vector.load %arg2[%get3A_5, %get3A_6] : memref<10000x32xf32, #tpu.memory_space<vmem>>, vector<10000x32xf32>
    %add3A_8 = arith.addf %add3A, %get3A_7 : vector<10000x32xf32>
    %get3A_9 = arith.constant 0 : index
    %get3A_10 = arith.constant 0 : index
    %get3A_11 = vector.load %arg3[%get3A_9, %get3A_10] : memref<10000x1xf32, #tpu.memory_space<vmem>>, vector<10000x1xf32>
    %mul3A = vector.broadcast %get3A_11 : vector<10000x1xf32> to vector<10000x32xf32>
    %mul3A_12 = arith.mulf %add3A_8, %mul3A : vector<10000x32xf32>
    %get3A_13 = arith.constant 0 : index
    %get3A_14 = arith.constant 0 : index
    %get3A_15 = vector.load %arg4[%get3A_13, %get3A_14] : memref<1x32xf32, #tpu.memory_space<vmem>>, vector<1x32xf32>
    %mul3A_16 = vector.broadcast %get3A_15 : vector<1x32xf32> to vector<10000x32xf32>
    %mul3A_17 = arith.mulf %mul3A_16, %mul3A_12 : vector<10000x32xf32>
    %get3A_18 = arith.constant 0 : index
    %get3A_19 = arith.constant 0 : index
    %get3A_20 = vector.load %arg5[%get3A_18, %get3A_19] : memref<1x32xf32, #tpu.memory_space<vmem>>, vector<1x32xf32>
    %add3A_21 = vector.broadcast %get3A_20 : vector<1x32xf32> to vector<10000x32xf32>
    %add3A_22 = arith.addf %mul3A_17, %add3A_21 : vector<10000x32xf32>
    %swap3A = arith.constant 0 : index
    %swap3A_23 = arith.constant 0 : index
    %swap3A_24 = vector.load %arg6[%swap3A, %swap3A_23] : memref<10000x32xf32, #tpu.memory_space<vmem>>, vector<10000x32xf32>
    tpu.vector_store %arg6[%swap3A, %swap3A_23], %add3A_22 {strides = array<i32>} : memref<10000x32xf32, #tpu.memory_space<vmem>>, vector<10000x32xf32>,
    return
  }
  func.func @transform_0(%arg0: i32) -> (i32, i32, i32) {
    %c0_i32 = arith.constant 0 : i32
    %c0_i32_0 = arith.constant 0 : i32
    %c0_i32_1 = arith.constant 0 : i32
    %c0_i32_2 = arith.constant 0 : i32
    return %c0_i32, %c0_i32_0, %c0_i32_1 : i32, i32, i32
  }
  func.func @transform_1(%arg0: i32) -> (i32, i32) {
    %c0_i32 = arith.constant 0 : i32
    %c0_i32_0 = arith.constant 0 : i32
    %c0_i32_1 = arith.constant 0 : i32
    return %c0_i32, %c0_i32_0 : i32, i32
  }
  func.func @transform_2(%arg0: i32) -> (i32, i32) {
    %c0_i32 = arith.constant 0 : i32
    %c0_i32_0 = arith.constant 0 : i32
    %c0_i32_1 = arith.constant 0 : i32
    return %c0_i32, %c0_i32_0 : i32, i32
  }
  func.func @transform_3(%arg0: i32) -> (i32, i32) {
    %c0_i32 = arith.constant 0 : i32
    %c0_i32_0 = arith.constant 0 : i32
    %c0_i32_1 = arith.constant 0 : i32
    return %c0_i32, %c0_i32_0 : i32, i32
  }
  func.func @transform_4(%arg0: i32) -> (i32, i32) {
    %c0_i32 = arith.constant 0 : i32
    %c0_i32_0 = arith.constant 0 : i32
    %c0_i32_1 = arith.constant 0 : i32
    return %c0_i32, %c0_i32_0 : i32, i32
  }
  func.func @transform_5(%arg0: i32) -> (i32, i32) {
    %c0_i32 = arith.constant 0 : i32
    %c0_i32_0 = arith.constant 0 : i32
    %c0_i32_1 = arith.constant 0 : i32
    return %c0_i32, %c0_i32_0 : i32, i32
  }
}

</mosaic_0001>

<sc_bundles>
// kernel: kernel.11.cloned.1.call-start
scs
__scs_entry_jumppad:
0x0: {  	(pc) =	sbr.rel $0x88, $3  }
0x1: {  	(tag) =	ssettag $0x0;
	lr =	simm.s32 $0x1  }
0x2: {  	[smem:$0x3F91] =	sst lr;
	_ =	strace $0xD0000000  }
0x3: {  	_ = 	snop  }
0x4: {  	_ = 	snop  }
0x5: {  	_ = 	snop  }
0x6: {  	_ = 	snop  }
0x7: {  	_ = 	snop  }
__scs_overlays_trampoline_lowered:
0x8: {  	[smem:$0x3FA0] =	sst s0  }
0x9: {  	[smem:$0x3FA1] =	sst s1  }
0xa: {  	[smem:$0x3FA2] =	sst s2  }
0xb: {  	[smem:$0x3FA3] =	sst s3  }
0xc: {  	[smem:$0x3FA4] =	sst s4  }
0xd: {  	[smem:$0x3FA5] =	sst s5  }
0xe: {  	[smem:$0x3FA6] =	sst s6  }
0xf: {  	[smem:$0x3FA7] =	sst s7  }
0x10: {  	[smem:$0x3FA8] =	sst s8  }
0x11: {  	[smem:$0x3FA9] =	sst s9;
	s0 =	simm.s32 @!p0 $0x0  }
0x12: {  	s1 =	sld [smem:$0x3F8F];
	s0 =	simm.s32 @p0 $0x1  }
0x13: {  	[smem:$0x3FAA] =	sst s0;
	s0 =	simm.s32 @!p1 $0x0  }
0x14: {  	s2 =	sld [smem:$0x3F8E];
	s0 =	simm.s32 @p1 $0x1  }
0x15: {  	[smem:$0x3FAB] =	sst s0;
	s0 =	simm.s32 @!p2 $0x0  }
0x16: {  	s3 =	sld [smem:$0x3FDB];
	s0 =	simm.s32 @p2 $0x1  }
0x17: {  	s4 =	simm.s32 $0x1BF5;
	[smem:$0x3FAD] =	sst s0  }
0x18: {  	s0 =	sld [smem:$0x3F90];
	_ =	swait.ge [sflag:s4], $0x0  }
0x19: {  	s7 =	sld [smem:$0x3F91]  }
0x1a: {  	s8 =	sadd.s32 $0xFFFFE003, lr  }
0x1b: {  	s9 =	sadd.s32 $0xFFFFFEF7, lr;
	s5 =	simm.s32 $0xFFFFFFFF;
	p2 =	slt.u32 s8, $0xFFFFF086  }
0x1c: {  	p1 =	slt.u32 s9, $0xF7A;
	s5 =	simm.s32 @!p2 $0x0  }
0x1d: {  	s5 =	simm.s32 @p1 $0x1;
	p0 =	seq.s32 s7, s2  }
0x1e: {  	s7 =	smul.u32 @!p0 $0xF7A, s2;
	p2 =	seq.s32 @!p0 s5, $0x0  }
0x1f: {  	s9 =	smul.u32 $0xF7A, s1;
	s8 =	simm.s32 @!p0 $0x1BF5;
	p2 =	por !p2, p0  }
0x20: {  	[sflag:s8] =	ssyncset.s32 @!p0 $0xFFFFF086;
	s6 =	sadd.s32 @!p0 s3, s7;
	s7 =	simm.s32 @!p0 $0x108  }
0x21: {  	s3 =	sadd.s32 s3, s9;
	s6 =	sadd.s32 @!p0 $0x88, s6;
	s7 =	simm.s32 @p2 $0x1082  }
0x22: {  	[simem:s7], [sflag:s8] =	dma.local @!p0 [hbm:s6], $0xF7A  }
0x23: {  	s9 =	sor.u32 $0xD0000000, s2;
	s6 =	simm.s32 $0x108;
	_ =	swait.ge @!p0 [sflag:s8], $0x0  }
0x24: {  	s3 =	sadd.s32 $0x88, s3;
	s6 =	simm.s32 @!p1 $0x1082;
	[sflag:s4] =	ssyncset.s32 $0xFFFFF086  }
0x25: {  	[simem:s6], [sflag:s4] =	dma.local [hbm:s3], $0xF7A  }
0x26: {  	[smem:$0x3F91] =	sst s1;
	(tag) =	ssettag s2;
	_ =	strace s9  }
0x27: {  	s1 =	sld [smem:$0x3FA1]  }
0x28: {  	s2 =	sld [smem:$0x3FA2]  }
0x29: {  	s4 =	sld [smem:$0x3FA4]  }
0x2a: {  	p0 =	seq.s32 s5, $0x0;
	s5 =	sld [smem:$0x3FA5]  }
0x2b: {  	s6 =	sld [smem:$0x3FA6]  }
0x2c: {  	s7 =	sld [smem:$0x3FA7]  }
0x2d: {  	s3 =	simm.s32 $0x108;
	s8 =	sld [smem:$0x3FA8]  }
0x2e: {  	s3 =	simm.s32 @!p0 $0x1082;
	s9 =	sld [smem:$0x3FA9]  }
0x2f: {  	lr =	sadd.s32 s0, s3;
	s0 =	sld [smem:$0x3FA0]  }
0x30: {  	s3 =	sld [smem:$0x3FA3]  }
0x31: {  	[smem:$0x3FAC] =	sst s10  }
0x32: {  	s10 =	sld [smem:$0x3FAA];
	_ =	sdelay $0x3  }
0x33: {  	p0 =	seq.s32 s10, $0x1;
	s10 =	sld [smem:$0x3FAC];
	_ =	sdelay $0x3  }
0x34: {  	[smem:$0x3FAC] =	sst s10  }
0x35: {  	s10 =	sld [smem:$0x3FAB];
	_ =	sdelay $0x3  }
0x36: {  	p1 =	seq.s32 s10, $0x1;
	s10 =	sld [smem:$0x3FAC];
	_ =	sdelay $0x3  }
0x37: {  	[smem:$0x3FAC] =	sst s10  }
0x38: {  	s10 =	sld [smem:$0x3FAD]  }
0x39: {  	_ = 	snop;
	(pc) =	sbr.ind lr, $3  }
0x3a: {  	_ = 	snop  }
0x3b: {  	_ = 	snop  }
0x3c: {  	p2 =	seq.s32 s10, $0x1;
	s10 =	sld [smem:$0x3FAC]  }
0x3d: {  	_ =	shalt  }
0x3e: {  	_ =	shalt  }
0x3f: {  	_ =	shalt  }
0x40: {  	_ =	shalt  }
0x41: {  	_ =	shalt  }
0x42: {  	_ =	shalt  }
0x43: {  	_ =	shalt  }
0x44: {  	_ =	shalt  }
0x45: {  	_ =	shalt  }
0x46: {  	_ =	shalt  }
0x47: {  	_ =	shalt  }
0x48: {  	_ =	shalt  }
0x49: {  	_ =	shalt  }
0x4a: {  	_ =	shalt  }
0x4b: {  	_ =	shalt  }
0x4c: {  	_ =	shalt  }
0x4d: {  	_ =	shalt  }
0x4e: {  	_ =	shalt  }
0x4f: {  	_ =	shalt  }
0x50: {  	_ =	shalt  }
0x51: {  	_ =	shalt  }
0x52: {  	_ =	shalt  }
0x53: {  	_ =	shalt  }
0x54: {  	_ =	shalt  }
0x55: {  	_ =	shalt  }
0x56: {  	_ =	shalt  }
0x57: {  	_ =	shalt  }
0x58: {  	_ =	shalt  }
0x59: {  	_ =	shalt  }
0x5a: {  	_ =	shalt  }
0x5b: {  	_ =	shalt  }
0x5c: {  	_ =	shalt  }
0x5d: {  	_ =	shalt  }
0x5e: {  	_ =	shalt  }
0x5f: {  	_ =	shalt  }
0x60: {  	_ =	shalt  }
0x61: {  	_ =	shalt  }
0x62: {  	_ =	shalt  }
0x63: {  	_ =	shalt  }
0x64: {  	_ =	shalt  }
0x65: {  	_ =	shalt  }
0x66: {  	_ =	shalt  }
0x67: {  	_ =	shalt  }
0x68: {  	_ =	shalt  }
0x69: {  	_ =	shalt  }
0x6a: {  	_ =	shalt  }
0x6b: {  	_ =	shalt  }
0x6c: {  	_ =	shalt  }
0x6d: {  	_ =	shalt  }
0x6e: {  	_ =	shalt  }
0x6f: {  	_ =	shalt  }
0x70: {  	_ =	shalt  }
0x71: {  	_ =	shalt  }
0x72: {  	_ =	shalt  }
0x73: {  	_ =	shalt  }
0x74: {  	_ =	shalt  }
0x75: {  	_ =	shalt  }
0x76: {  	_ =	shalt  }
0x77: {  	_ =	shalt  }
0x78: {  	_ =	shalt  }
0x79: {  	_ =	shalt  }
0x7a: {  	_ =	shalt  }
0x7b: {  	_ =	shalt  }
0x7c: {  	_ =	shalt  }
0x7d: {  	_ =	shalt  }
0x7e: {  	_ =	shalt  }
0x7f: {  	_ =	shalt  }
0x80: {  	_ =	shalt  }
0x81: {  	_ =	shalt  }
0x82: {  	_ =	shalt  }
0x83: {  	_ =	shalt  }
0x84: {  	_ =	shalt  }
0x85: {  	_ =	shalt  }
0x86: {  	_ =	shalt  }
0x87: {  	_ =	shalt  }
.Lfunc_end0:
.L_simem_size_0:
called_computation.1_lowered:
.L_overlay_start_0:
0x88: {  	s2 =	sld [smem:$0x3FD9]  }
0x89: {  	s3 =	sld [smem:$0x3FFE];
	_ =	sdelay $0x1  }
0x8a: {  	s1 =	srdreg.scid  }
0x8b: {  	s0 =	sand.u32 $0x1, s1  }
0x8c: {  	s16 =	sshll.u32 s0, $0xA;
	s2 =	sadd.s32 s3, s2  }
0x8d: {  	s2 =	sadd.s32 s2, s16  }
0x8e: {  	[smem:$0x3FB8] =	sst s2  }
0x8f: {  	_ = 	snop  }
0x90: {  	(tm) =	ssettm $0x1  }
0x91: {  	s17 =	sld [smem:$0x3FFB];
	_ =	sdelay $0x3  }
0x92: {  	_ =	strace s17  }
0x93: {  	s2 =	sld [smem:$0x3FFC];
	_ =	sdelay $0x3  }
0x94: {  	_ =	strace s2  }
0x95: {  	s2 =	sld [smem:$0x3FFD];
	_ =	sdelay $0x3  }
0x96: {  	_ =	strace s2  }
0x97: {  	_ =	strace $0x8FFFFFFF  }
0x98: {  	s18 =	sld [smem:$0x3FDB];
	_ =	sdelay $0x1  }
0x99: {  	s19 =	simm.s32 $_scs_section_size  }
0x9a: {  	s4 =	simm.s32 $_size__tile_overlayer_lowered;
	s5 =	simm.s32 $_tile_overlayer_lowered  }
0x9b: {  	s22 =	simm.s32 $0x1BFF;
	s21 =	sshll.u32 s5, $0x1;
	s2 =	sadd.s32 s19, s18  }
0x9c: {  	s6 =	simm.s32 $0x0;
	s20 =	sshll.u32 s4, $0x1;
	s4 =	sadd.s32 s21, s2  }
0x9d: {  	[timem:s6], [sflag:s22] =	dma.local [hbm:s4], s20  }
0x9e: {  	_ =	swait.ge [sflag:s22], s20  }
0x9f: {  	s3 =	ssub.s32 $0x0, s20;
	[sflag:s22] =	ssyncset.done $0x0  }
0xa0: {  	[sflag:s22] =	ssyncadd.s32 s3;
	_ =	sdelay $0x1  }
0xa1: {  	s23 =	simm.s32 $0x1B8B  }
0xa2: {  	_ =	swait.ge [sflag:s23], $0x1  }
0xa3: {  	[sflag:s23] =	ssyncset.done $0x0  }
0xa4: {  	s25 =	simm.s32 $0x1B8E;
	s24 =	sld [smem:$0x3FFE];
	[sflag:s23] =	ssyncadd.s32 $0xFFFFFFFF  }
0xa5: {  	s26 =	simm.s32 $execute0_lowered;
	[smem:$0x3FD2] =	sst s25  }
0xa6: {  	s4 =	sshll.u32 s26, $0x1;
	_ =	strace $0x80000049;
	[dreg:$0x1] =	wrdreg $0xFFFFFFFF  }
0xa7: {  	s28 =	simm.s32 $_size_execute0_lowered;
	s2 =	sadd.s32 s2, s4;
	[dreg:$0x0] =	wrdreg $0x0  }
0xa8: {  	s4 =	sshll.u32 s28, $0x1;
	[dreg:$0x2] =	wrdreg s2  }
0xa9: {  	[dreg:$0x3] =	wrdreg s4  }
0xaa: {  	[dreg:$0x4] =	wrdreg $0xC0  }
0xab: {  	_ =	task [dreg:s6], $0x5FFFF  }
0xac: {  	[dreg:$0x1] =	wrdreg $0xFFFFFFFF  }
0xad: {  	[dreg:$0x0] =	wrdreg $0x60  }
0xae: {  	[dreg:$0x2] =	wrdreg s24  }
0xaf: {  	[dreg:$0x3] =	wrdreg $0x90000  }
0xb0: {  	[dreg:$0x4] =	wrdreg $0x9  }
0xb1: {  	_ =	task.clear_ibuf [dreg:s6], $0x5FFFF;
	_ =	strace $0x90000049  }
0xb2: {  	s29 =	simm.s32 $0x9;
	_ =	strace $0x8000004B  }
0xb3: {  	_ =	swait.ge [sflag:s29], $0x1  }
0xb4: {  	[sflag:s29] =	ssyncadd.s32 $0xFFFFFFFF  }
0xb5: {  	_ =	strace $0x9000004B  }
0xb6: {  	_ =	sfence  }
0xb7: {  	s30 =	sld [smem:$0x0];
	_ =	sdelay $0x2  }
0xb8: {  	s31 =	sshll.u32 s1, $0xD;
	s1 =	sshrl.u32 s1, $0x2  }
0xb9: {  	s3 =	sand.u32 $0x4000, s31;
	s1 =	sadd.s32 s1, s30  }
0xba: {  	s0 =	sor.u32 s3, s0;
	s1 =	sshll.u32 s1, $0x11  }
0xbb: {  	s0 =	sor.u32 s1, s0  }
0xbc: {  	s0 =	sadd.s32 $0x8F2B, s0  }
0xbd: {  	[sflag:s0] =	ssyncadd.remote.s32 $0x1  }
0xbe: {  	_ =	sfence.sel $0xFFFF  }
0xbf: {  	[dreg:$0x0] =	wrdreg $0xFFFFFFFF;
	(pc) =	sbr.abs _section_cstart, $3  }
0xc0: {  	[dreg:$0x1] =	wrdreg $0xFFFFFFFF  }
0xc1: {  	_ =	task.clear_ibuf [dreg:s6], $0x2FFFF;
	_ =	strace $0x9FFFFFFF  }
0xc2: {  	(tm) =	ssettm $0x7FFFFFFF  }
0xc3: {  	_ =	shalt  }
tec
execute0_lowered:
.L_overlay_start_1:
0x0: {  	(tag) =	ssettag $0x1  }
0x1: {  	s0 =	srdreg.scid;
	s6 =	rddreg [dreg:$0x0]  }
0x2: {  	s2 =	rddreg [dreg:$0x1];
	s3 =	simm.s32 $0x0;
	s14 =	simm.s32 $0x5000  }
0x3: {  	s15 =	simm.s32 $0x2;
	s16 =	simm.s32 $0x2800;
	s5 =	sand.u32 $0x1, s0  }
0x4: {  	s17 =	simm.s32 $0x80;
	s0 =	stileid.u32;
	s8 =	smul.u32 $0x13C000, s5  }
0x5: {  	s18 =	simm.s32 $0x1;
	[smem:$0x7FF] =	sst s3;
	s9 =	smul.u32 $0x13C00, s0  }
0x6: {  	s4 =	sadd.s32 $0x2B600, s6;
	s1 =	sshll.u32 s5, $0x4;
	s10 =	smul.u32 $0x4F000, s0  }
0x7: {  	s29 =	ssub.s32 $0x2, s5;
	s19 =	sshll.u32 s0, $0x6;
	s1 =	sor.u32 s0, s1  }
0x8: {  	s31 =	sshrl.u32 s29, $0x1;
	s19 =	sor.u32 $0x1C02, s19;
	s7 =	smul.u32 $0x500, s1  }
0x9: {  	s1 =	rddreg [dreg:$0x2];
	_ =	strace $0x8000004A;
	s30 =	sshrl.u32 s10, $0x2  }
0xa: {  	s28 =	sadd.s32 s9, s8;
	s13 =	ssub.s32 s29, s31;
	s5 =	sadd.s32 s30, s2  }
0xb: {  	s13 =	smax.u32 s13, $0x1;
	s11 =	sadd.s32 s7, s6;
	s7 =	sshrl.u32 s28, $0x3  }
0xc: {  	s8 =	sadd.s32 $0xC000, s5;
	s9 =	sadd.s32 $0x10000, s5;
	s20 =	sshrl.u32 s5, $0x3  }
0xd: {  	s12 =	sadd.s32 s7, s6;
	s6 =	sadd.s32 $0x4000, s5;
	s7 =	sadd.s32 $0x8000, s5  }
0xe: {  	v0 =	vimm.f32 $0.0e+00;
	s10 =	sadd.s32 $0xD800, s11;
	s11 =	sadd.s32 $0x21600, s11;
	s12 =	sadd.s32 $0x52800, s12  }
.LBB2_1:
0xf: {  	s21 =	simm.s32 $0x0;
	s22 =	simm.s32 $0x200  }
.LBB2_2:
0x10: {  	p0 =	sne.s32 s22, $0xFE00;
	[tilespmem:s21+$0x5070] =	vst v0  }
0x11: {  	[tilespmem:s21+$0x5000] =	vst v0  }
0x12: {  	[tilespmem:s21+$0x5010] =	vst v0  }
.Ltmp0:
0x13: {  	[tilespmem:s21+$0x5020] =	vst v0;
	(pc) =	sbr.rel @p0 .LBB2_2-.Ltmp0, $4  }
0x14: {  	[tilespmem:s21+$0x5030] =	vst v0  }
0x15: {  	[tilespmem:s21+$0x5040] =	vst v0  }
0x16: {  	[tilespmem:s21+$0x5050] =	vst v0  }
0x17: {  	[tilespmem:s21+$0x5060] =	vst v0;
	s21 =	sshra.s32 s22, $0x2;
	s22 =	sadd.s32 $0x200, s22  }
0x18: {  	[tilespmem:s21+$0x5070] =	vst v0  }
0x19: {  	[tilespmem:s21+$0x5000] =	vst v0  }
0x1a: {  	[tilespmem:s21+$0x5010] =	vst v0  }
0x1b: {  	[tilespmem:s21+$0x5020] =	vst v0  }
0x1c: {  	[tilespmem:s21+$0x5030] =	vst v0  }
0x1d: {  	[tilespmem:s21+$0x5040] =	vst v0  }
0x1e: {  	[tilespmem:s21+$0x5050] =	vst v0  }
0x1f: {  	[tilespmem:s21+$0x5060] =	vst v0  }
0x20: {  	[spmem:s5] =	stream.linear.scatter [tilespmem:s14], [sflag:$0x2], $0x4000, $0x38;
	[tilespmem:$0x1CC00] =	vst v63  }
0x21: {  	_ =	swait.ge [sflag:s15], $0x4000  }
0x22: {  	[sflag:s15] =	ssyncset.done $0x0  }
0x23: {  	[sflag:s15] =	ssyncadd.s32 $0xFFFFC000  }
0x24: {  	[spmem:s6] =	stream.linear.scatter [tilespmem:s14], [sflag:$0x2], $0x4000, $0x38;
	[tilespmem:$0x1CC00] =	vst v63  }
0x25: {  	_ =	swait.ge [sflag:s15], $0x4000  }
0x26: {  	[sflag:s15] =	ssyncset.done $0x0  }
0x27: {  	[sflag:s15] =	ssyncadd.s32 $0xFFFFC000  }
0x28: {  	[spmem:s7] =	stream.linear.scatter [tilespmem:s14], [sflag:$0x2], $0x4000, $0x38;
	[tilespmem:$0x1CC00] =	vst v63  }
0x29: {  	_ =	swait.ge [sflag:s15], $0x4000  }
0x2a: {  	[sflag:s15] =	ssyncset.done $0x0  }
0x2b: {  	[sflag:s15] =	ssyncadd.s32 $0xFFFFC000  }
0x2c: {  	[spmem:s8] =	stream.linear.scatter [tilespmem:s14], [sflag:$0x2], $0x4000, $0x38;
	[tilespmem:$0x1CC00] =	vst v63  }
0x2d: {  	_ =	swait.ge [sflag:s15], $0x4000  }
0x2e: {  	[sflag:s15] =	ssyncset.done $0x0  }
0x2f: {  	[sflag:s15] =	ssyncadd.s32 $0xFFFFC000  }
0x30: {  	[spmem:s9] =	stream.linear.scatter [tilespmem:s14], [sflag:$0x2], $0x3C00, $0x38;
	[tilespmem:$0x1CC00] =	vst v63  }
0x31: {  	_ =	swait.ge [sflag:s15], $0x3C00  }
0x32: {  	[sflag:s15] =	ssyncset.done $0x0  }
0x33: {  	[sflag:s15] =	ssyncadd.s32 $0xFFFFC400  }
0x34: {  	s29 =	simm.s32 $0x0;
	[bflag:$0x0] =	sbarrier.arrive $0xFFFF  }
0x35: {  	[tilespmem:s29], [sflag:$0x2] =	stream.linear.gather [hbm4b:s10+s29], $0x2780, $0x38;
	[tilespmem:$0x1CC00] =	vst v63  }
0x36: {  	_ =	swait.ge [sflag:s15], $0x2780  }
0x37: {  	[sflag:s15] =	ssyncset.done $0x0  }
0x38: {  	[sflag:s15] =	ssyncadd.s32 $0xFFFFD880  }
0x39: {  	[tilespmem:s16], [sflag:$0x2] =	stream.linear.gather [hbm4b:s11+s29], $0x2780, $0x38;
	[tilespmem:$0x1CC00] =	vst v63  }
0x3a: {  	_ =	swait.ge [sflag:s15], $0x2780  }
0x3b: {  	[sflag:s15] =	ssyncset.done $0x0  }
0x3c: {  	s30 =	simm.s32 $0x2800;
	[sflag:s15] =	ssyncadd.s32 $0xFFFFD880  }
0x3d: {  	[tilespmem:s14], [sflag:$0x1] =	stream.indirect.gather [hbm4b:s4+s17], $0x80, s30, s17, $0xb8;
	[tilespmem:$0x1CC00] =	vst v63  }
0x3e: {  	_ =	swait.ge [sflag:s18], $0x4000  }
0x3f: {  	[sflag:s18] =	ssyncset.done $0x0  }
0x40: {  	s31 =	simm.s32 $0x0;
	[sflag:s18] =	ssyncadd.s32 $0xFFFFC000  }
0x41: {  	[spmem:s2] =	stream.indirect.scatter.add.f32 [tilespmem:s14], [sflag:$0x2], $0x80, s31, s17, $0xb8;
	[tilespmem:$0x1CC00] =	vst v63  }
0x42: {  	_ =	swait.ge [sflag:s15], $0x4000  }
0x43: {  	s22 =	simm.s32 $0x400;
	s21 =	simm.s32 $0x80;
	[sflag:s15] =	ssyncset.done $0x0  }
.LBB2_4:
0x44: {  	s23 =	sadd.s32 $0x2800, s21  }
0x45: {  	[sflag:s15] =	ssyncadd.s32 $0xFFFFC000;
	s24 =	smov.u32 s22;
	s25 =	sadd.s32 $0x200, s22  }
0x46: {  	[tilespmem:s14], [sflag:$0x1] =	stream.indirect.gather [hbm4b:s4+s17], $0x80, s23, s17, $0xb8;
	[tilespmem:$0x1CC00] =	vst v63  }
0x47: {  	p0 =	sne.s32 s22, $0x9C00;
	_ =	swait.ge [sflag:s18], $0x4000  }
.Ltmp1:
0x48: {  	[sflag:s18] =	ssyncset.done $0x0;
	(pc) =	sbr.rel @p0 .LBB2_4-.Ltmp1, $4  }
0x49: {  	[sflag:s18] =	ssyncadd.s32 $0xFFFFC000  }
0x4a: {  	[spmem:s2] =	stream.indirect.scatter.add.f32 [tilespmem:s14], [sflag:$0x2], $0x80, s21, s17, $0xb8;
	[tilespmem:$0x1CC00] =	vst v63  }
0x4b: {  	_ =	swait.ge [sflag:s15], $0x4000  }
0x4c: {  	s22 =	smov.u32 s25;
	s21 =	sshra.s32 s24, $0x2;
	[sflag:s15] =	ssyncset.done $0x0  }
0x4d: {  	s22 =	sadd.s32 $0x2800, s21;
	[sflag:s15] =	ssyncadd.s32 $0xFFFFC000  }
0x4e: {  	[tilespmem:s14], [sflag:$0x1] =	stream.indirect.gather [hbm4b:s4+s17], $0x80, s22, s17, $0xb8;
	[tilespmem:$0x1CC00] =	vst v63  }
0x4f: {  	_ =	swait.ge [sflag:s18], $0x4000  }
0x50: {  	[sflag:s18] =	ssyncset.done $0x0  }
0x51: {  	[sflag:s18] =	ssyncadd.s32 $0xFFFFC000  }
0x52: {  	[spmem:s2] =	stream.indirect.scatter.add.f32 [tilespmem:s14], [sflag:$0x2], $0x80, s21, s17, $0xb8;
	[tilespmem:$0x1CC00] =	vst v63  }
0x53: {  	_ =	swait.ge [sflag:s15], $0x4000  }
0x54: {  	s3 =	sadd.s32 $0x1, s3;
	[sflag:s15] =	ssyncset.done $0x0  }
0x55: {  	p0 =	sne.s32 s3, s13;
	[sflag:s15] =	ssyncadd.s32 $0xFFFFC000  }
.Ltmp2:
0x56: {  	[bflag:$0x0] =	sbarrier.arrive $0xFFFF;
	(pc) =	sbr.rel @p0 .LBB2_1-.Ltmp2, $4  }
0x57: {  	[hbm:s12], [sflag:s19] =	dma.local [spmem:s20], $0x2780  }
0x58: {  	_ =	swait.ge [sflag:s15], $0x2780  }
0x59: {  	[sflag:s15] =	ssyncset.done $0x0  }
0x5a: {  	[sflag:s15] =	ssyncadd.s32 $0xFFFFD880  }
0x5b: {  	_ =	sfence.sel $0x180000  }
0x5c: {  	[bflag:$0x0] =	sbarrier.arrive $0xFFFF  }
0x5d: {  	p0 =	sne.s32 s0, $0x0;
	_ =	strace $0x9000004A  }
0x5e: {  	s0 =	sadd.s32 @!p0 $0x100000, s1;
	[bflag:$0x2] =	sbarrier.arrive $0xFFFF  }
0x5f: {  	[sflag:s0] =	ssyncadd.tile.s32 @!p0 $0x1;
	_ =	shalt  }
.Lfunc_end2:
_tile_overlayer_lowered:
.L_overlay_start_2:
0x60: {  	(tag) =	ssettag $0x2  }
0x61: {  	s0 =	rddreg [dreg:$0x0];
	s2 =	stileid.u32  }
0x62: {  	s1 =	rddreg [dreg:$0x1];
	p0 =	sne.s32 s2, $0x0  }
0x63: {  	s3 =	rddreg [dreg:$0x2];
	[bflag:$0x3] =	sbarrier.arrive $0xFFFF;
	s2 =	simm.s32 @!p0 $0x1C02  }
0x64: {  	[timem:s3], [sflag:s2] =	dma.local @!p0 [hbm:s0], s1  }
0x65: {  	s0 =	simm.s32 @!p0 $0x2  }
0x66: {  	_ =	swait.ge @!p0 [sflag:s0], s1  }
0x67: {  	s1 =	ssub.s32 @!p0 $0x0, s1;
	[sflag:s0] =	ssyncset.done @!p0 $0x0  }
0x68: {  	[sflag:s0] =	ssyncadd.s32 @!p0 s1  }
0x69: {  	[bflag:$0x3] =	sbarrier.arrive $0xFFFF  }
0x6a: {  	_ =	shalt  }

// kernel: kernel.14.cloned.1.call-start
scs
__scs_entry_jumppad:
0x0: {  	(pc) =	sbr.rel $0x88, $3  }
0x1: {  	(tag) =	ssettag $0x0;
	lr =	simm.s32 $0x1  }
0x2: {  	[smem:$0x3F91] =	sst lr;
	_ =	strace $0xD0000000  }
0x3: {  	_ = 	snop  }
0x4: {  	_ = 	snop  }
0x5: {  	_ = 	snop  }
0x6: {  	_ = 	snop  }
0x7: {  	_ = 	snop  }
__scs_overlays_trampoline_lowered:
0x8: {  	[smem:$0x3FA0] =	sst s0  }
0x9: {  	[smem:$0x3FA1] =	sst s1  }
0xa: {  	[smem:$0x3FA2] =	sst s2  }
0xb: {  	[smem:$0x3FA3] =	sst s3  }
0xc: {  	[smem:$0x3FA4] =	sst s4  }
0xd: {  	[smem:$0x3FA5] =	sst s5  }
0xe: {  	[smem:$0x3FA6] =	sst s6  }
0xf: {  	[smem:$0x3FA7] =	sst s7  }
0x10: {  	[smem:$0x3FA8] =	sst s8  }
0x11: {  	[smem:$0x3FA9] =	sst s9;
	s0 =	simm.s32 @!p0 $0x0  }
0x12: {  	s1 =	sld [smem:$0x3F8F];
	s0 =	simm.s32 @p0 $0x1  }
0x13: {  	[smem:$0x3FAA] =	sst s0;
	s0 =	simm.s32 @!p1 $0x0  }
0x14: {  	s2 =	sld [smem:$0x3F8E];
	s0 =	simm.s32 @p1 $0x1  }
0x15: {  	[smem:$0x3FAB] =	sst s0;
	s0 =	simm.s32 @!p2 $0x0  }
0x16: {  	s3 =	sld [smem:$0x3FDB];
	s0 =	simm.s32 @p2 $0x1  }
0x17: {  	s4 =	simm.s32 $0x1BF5;
	[smem:$0x3FAD] =	sst s0  }
0x18: {  	s0 =	sld [smem:$0x3F90];
	_ =	swait.ge [sflag:s4], $0x0  }
0x19: {  	s7 =	sld [smem:$0x3F91]  }
0x1a: {  	s8 =	sadd.s32 $0xFFFFE003, lr  }
0x1b: {  	s9 =	sadd.s32 $0xFFFFFEF7, lr;
	s5 =	simm.s32 $0xFFFFFFFF;
	p2 =	slt.u32 s8, $0xFFFFF086  }
0x1c: {  	p1 =	slt.u32 s9, $0xF7A;
	s5 =	simm.s32 @!p2 $0x0  }
0x1d: {  	s5 =	simm.s32 @p1 $0x1;
	p0 =	seq.s32 s7, s2  }
0x1e: {  	s7 =	smul.u32 @!p0 $0xF7A, s2;
	p2 =	seq.s32 @!p0 s5, $0x0  }
0x1f: {  	s9 =	smul.u32 $0xF7A, s1;
	s8 =	simm.s32 @!p0 $0x1BF5;
	p2 =	por !p2, p0  }
0x20: {  	[sflag:s8] =	ssyncset.s32 @!p0 $0xFFFFF086;
	s6 =	sadd.s32 @!p0 s3, s7;
	s7 =	simm.s32 @!p0 $0x108  }
0x21: {  	s3 =	sadd.s32 s3, s9;
	s6 =	sadd.s32 @!p0 $0x88, s6;
	s7 =	simm.s32 @p2 $0x1082  }
0x22: {  	[simem:s7], [sflag:s8] =	dma.local @!p0 [hbm:s6], $0xF7A  }
0x23: {  	s9 =	sor.u32 $0xD0000000, s2;
	s6 =	simm.s32 $0x108;
	_ =	swait.ge @!p0 [sflag:s8], $0x0  }
0x24: {  	s3 =	sadd.s32 $0x88, s3;
	s6 =	simm.s32 @!p1 $0x1082;
	[sflag:s4] =	ssyncset.s32 $0xFFFFF086  }
0x25: {  	[simem:s6], [sflag:s4] =	dma.local [hbm:s3], $0xF7A  }
0x26: {  	[smem:$0x3F91] =	sst s1;
	(tag) =	ssettag s2;
	_ =	strace s9  }
0x27: {  	s1 =	sld [smem:$0x3FA1]  }
0x28: {  	s2 =	sld [smem:$0x3FA2]  }
0x29: {  	s4 =	sld [smem:$0x3FA4]  }
0x2a: {  	p0 =	seq.s32 s5, $0x0;
	s5 =	sld [smem:$0x3FA5]  }
0x2b: {  	s6 =	sld [smem:$0x3FA6]  }
0x2c: {  	s7 =	sld [smem:$0x3FA7]  }
0x2d: {  	s3 =	simm.s32 $0x108;
	s8 =	sld [smem:$0x3FA8]  }
0x2e: {  	s3 =	simm.s32 @!p0 $0x1082;
	s9 =	sld [smem:$0x3FA9]  }
0x2f: {  	lr =	sadd.s32 s0, s3;
	s0 =	sld [smem:$0x3FA0]  }
0x30: {  	s3 =	sld [smem:$0x3FA3]  }
0x31: {  	[smem:$0x3FAC] =	sst s10  }
0x32: {  	s10 =	sld [smem:$0x3FAA];
	_ =	sdelay $0x3  }
0x33: {  	p0 =	seq.s32 s10, $0x1;
	s10 =	sld [smem:$0x3FAC];
	_ =	sdelay $0x3  }
0x34: {  	[smem:$0x3FAC] =	sst s10  }
0x35: {  	s10 =	sld [smem:$0x3FAB];
	_ =	sdelay $0x3  }
0x36: {  	p1 =	seq.s32 s10, $0x1;
	s10 =	sld [smem:$0x3FAC];
	_ =	sdelay $0x3  }
0x37: {  	[smem:$0x3FAC] =	sst s10  }
0x38: {  	s10 =	sld [smem:$0x3FAD]  }
0x39: {  	_ = 	snop;
	(pc) =	sbr.ind lr, $3  }
0x3a: {  	_ = 	snop  }
0x3b: {  	_ = 	snop  }
0x3c: {  	p2 =	seq.s32 s10, $0x1;
	s10 =	sld [smem:$0x3FAC]  }
0x3d: {  	_ =	shalt  }
0x3e: {  	_ =	shalt  }
0x3f: {  	_ =	shalt  }
0x40: {  	_ =	shalt  }
0x41: {  	_ =	shalt  }
0x42: {  	_ =	shalt  }
0x43: {  	_ =	shalt  }
0x44: {  	_ =	shalt  }
0x45: {  	_ =	shalt  }
0x46: {  	_ =	shalt  }
0x47: {  	_ =	shalt  }
0x48: {  	_ =	shalt  }
0x49: {  	_ =	shalt  }
0x4a: {  	_ =	shalt  }
0x4b: {  	_ =	shalt  }
0x4c: {  	_ =	shalt  }
0x4d: {  	_ =	shalt  }
0x4e: {  	_ =	shalt  }
0x4f: {  	_ =	shalt  }
0x50: {  	_ =	shalt  }
0x51: {  	_ =	shalt  }
0x52: {  	_ =	shalt  }
0x53: {  	_ =	shalt  }
0x54: {  	_ =	shalt  }
0x55: {  	_ =	shalt  }
0x56: {  	_ =	shalt  }
0x57: {  	_ =	shalt  }
0x58: {  	_ =	shalt  }
0x59: {  	_ =	shalt  }
0x5a: {  	_ =	shalt  }
0x5b: {  	_ =	shalt  }
0x5c: {  	_ =	shalt  }
0x5d: {  	_ =	shalt  }
0x5e: {  	_ =	shalt  }
0x5f: {  	_ =	shalt  }
0x60: {  	_ =	shalt  }
0x61: {  	_ =	shalt  }
0x62: {  	_ =	shalt  }
0x63: {  	_ =	shalt  }
0x64: {  	_ =	shalt  }
0x65: {  	_ =	shalt  }
0x66: {  	_ =	shalt  }
0x67: {  	_ =	shalt  }
0x68: {  	_ =	shalt  }
0x69: {  	_ =	shalt  }
0x6a: {  	_ =	shalt  }
0x6b: {  	_ =	shalt  }
0x6c: {  	_ =	shalt  }
0x6d: {  	_ =	shalt  }
0x6e: {  	_ =	shalt  }
0x6f: {  	_ =	shalt  }
0x70: {  	_ =	shalt  }
0x71: {  	_ =	shalt  }
0x72: {  	_ =	shalt  }
0x73: {  	_ =	shalt  }
0x74: {  	_ =	shalt  }
0x75: {  	_ =	shalt  }
0x76: {  	_ =	shalt  }
0x77: {  	_ =	shalt  }
0x78: {  	_ =	shalt  }
0x79: {  	_ =	shalt  }
0x7a: {  	_ =	shalt  }
0x7b: {  	_ =	shalt  }
0x7c: {  	_ =	shalt  }
0x7d: {  	_ =	shalt  }
0x7e: {  	_ =	shalt  }
0x7f: {  	_ =	shalt  }
0x80: {  	_ =	shalt  }
0x81: {  	_ =	shalt  }
0x82: {  	_ =	shalt  }
0x83: {  	_ =	shalt  }
0x84: {  	_ =	shalt  }
0x85: {  	_ =	shalt  }
0x86: {  	_ =	shalt  }
0x87: {  	_ =	shalt  }
.Lfunc_end0:
.L_simem_size_0:
called_computation.2_lowered:
.L_overlay_start_0:
0x88: {  	s2 =	sld [smem:$0x3FD9]  }
0x89: {  	s3 =	sld [smem:$0x3FFE];
	_ =	sdelay $0x1  }
0x8a: {  	s1 =	srdreg.scid  }
0x8b: {  	s0 =	sand.u32 $0x1, s1  }
0x8c: {  	s17 =	sshll.u32 s0, $0xA;
	s2 =	sadd.s32 s3, s2  }
0x8d: {  	s2 =	sadd.s32 s2, s17  }
0x8e: {  	[smem:$0x3FB8] =	sst s2  }
0x8f: {  	_ = 	snop  }
0x90: {  	s2 =	sld [smem:$0x3FD0];
	(tm) =	ssettm $0x1  }
0x91: {  	s18 =	sld [smem:$0x3FFB];
	_ =	sdelay $0x3  }
0x92: {  	_ =	strace s18  }
0x93: {  	s3 =	sld [smem:$0x3FFC];
	_ =	sdelay $0x3  }
0x94: {  	_ =	strace s3  }
0x95: {  	s3 =	sld [smem:$0x3FFD];
	_ =	sdelay $0x3  }
0x96: {  	_ =	strace s3  }
0x97: {  	_ =	strace $0x8FFFFFFF  }
0x98: {  	s19 =	sld [smem:$0x3FDB];
	_ =	sdelay $0x1  }
0x99: {  	s4 =	simm.s32 $_scs_section_size  }
0x9a: {  	s5 =	simm.s32 $_size__tile_overlayer_lowered;
	s6 =	simm.s32 $_tile_overlayer_lowered  }
0x9b: {  	s22 =	simm.s32 $0x1BFF;
	s21 =	sshll.u32 s6, $0x1;
	s3 =	sadd.s32 s4, s19  }
0x9c: {  	s7 =	simm.s32 $0x0;
	s20 =	sshll.u32 s5, $0x1;
	s5 =	sadd.s32 s21, s3  }
0x9d: {  	[timem:s7], [sflag:s22] =	dma.local [hbm:s5], s20  }
0x9e: {  	_ =	swait.ge [sflag:s22], s20  }
0x9f: {  	s4 =	ssub.s32 $0x0, s20;
	[sflag:s22] =	ssyncset.done $0x0  }
0xa0: {  	[sflag:s22] =	ssyncadd.s32 s4;
	_ =	sdelay $0x1  }
0xa1: {  	s23 =	simm.s32 $0x1B8B  }
0xa2: {  	_ =	swait.ge [sflag:s23], $0x1  }
0xa3: {  	[sflag:s23] =	ssyncset.done $0x0  }
0xa4: {  	s25 =	simm.s32 $0x1B8E;
	s24 =	sld [smem:$0x3FFE];
	[sflag:s23] =	ssyncadd.s32 $0xFFFFFFFF  }
0xa5: {  	s26 =	simm.s32 $execute0_lowered;
	[smem:$0x3FD2] =	sst s25  }
0xa6: {  	s5 =	sshll.u32 s26, $0x1;
	_ =	strace $0x8000004C;
	[dreg:$0x1] =	wrdreg $0xFFFFFFFF  }
0xa7: {  	s28 =	simm.s32 $_size_execute0_lowered;
	s3 =	sadd.s32 s3, s5;
	[dreg:$0x0] =	wrdreg $0x0  }
0xa8: {  	s5 =	sshll.u32 s28, $0x1;
	[dreg:$0x2] =	wrdreg s3  }
0xa9: {  	[dreg:$0x3] =	wrdreg s5  }
0xaa: {  	[dreg:$0x4] =	wrdreg $0xC0  }
0xab: {  	_ =	task [dreg:s7], $0x5FFFF  }
0xac: {  	[dreg:$0x1] =	wrdreg $0xFFFFFFFF  }
0xad: {  	[dreg:$0x0] =	wrdreg $0x60  }
0xae: {  	[dreg:$0x2] =	wrdreg s24  }
0xaf: {  	[dreg:$0x3] =	wrdreg s2  }
0xb0: {  	[dreg:$0x4] =	wrdreg $0x5F000  }
0xb1: {  	[dreg:$0x5] =	wrdreg $0x9  }
0xb2: {  	_ =	task.clear_ibuf [dreg:s7], $0x6FFFF;
	_ =	strace $0x9000004C  }
0xb3: {  	s29 =	simm.s32 $0x9;
	_ =	strace $0x8000004E  }
0xb4: {  	_ =	swait.ge [sflag:s29], $0x1  }
0xb5: {  	[sflag:s29] =	ssyncadd.s32 $0xFFFFFFFF  }
0xb6: {  	_ =	strace $0x9000004E  }
0xb7: {  	_ =	sfence  }
0xb8: {  	s30 =	sld [smem:$0x0];
	_ =	sdelay $0x2  }
0xb9: {  	s31 =	sshll.u32 s1, $0xD;
	s1 =	sshrl.u32 s1, $0x2  }
0xba: {  	s3 =	sand.u32 $0x4000, s31;
	s1 =	sadd.s32 s1, s30  }
0xbb: {  	s0 =	sor.u32 s3, s0;
	s1 =	sshll.u32 s1, $0x11  }
0xbc: {  	s0 =	sor.u32 s1, s0  }
0xbd: {  	s0 =	sadd.s32 $0x8F2B, s0  }
0xbe: {  	[sflag:s0] =	ssyncadd.remote.s32 $0x1  }
0xbf: {  	_ =	sfence.sel $0xFFFF  }
0xc0: {  	[dreg:$0x0] =	wrdreg $0xFFFFFFFF;
	(pc) =	sbr.abs _section_cstart, $3  }
0xc1: {  	[dreg:$0x1] =	wrdreg $0xFFFFFFFF  }
0xc2: {  	_ =	task.clear_ibuf [dreg:s7], $0x2FFFF;
	_ =	strace $0x9FFFFFFF  }
0xc3: {  	(tm) =	ssettm $0x7FFFFFFF  }
tec
execute0_lowered:
.L_overlay_start_1:
0x0: {  	(tag) =	ssettag $0x1  }
0x1: {  	s5 =	rddreg [dreg:$0x0]  }
0x2: {  	s10 =	rddreg [dreg:$0x1]  }
0x3: {  	s2 =	rddreg [dreg:$0x2];
	s3 =	srdreg.scid  }
0x4: {  	s0 =	rddreg [dreg:$0x3];
	s1 =	stileid.u32  }
0x5: {  	s15 =	simm.s32 $0x2;
	s16 =	simm.s32 $0x2780;
	s17 =	simm.s32 $0x80  }
0x6: {  	s18 =	simm.s32 $0x1;
	s6 =	sand.u32 $0x1, s3;
	s7 =	smul.u32 $0x4F00, s1  }
0x7: {  	s3 =	simm.s32 $0x0;
	s9 =	smul.u32 $0x13C00, s1;
	s19 =	sshll.u32 s1, $0x6  }
0x8: {  	s4 =	sshll.u32 s6, $0x4;
	[smem:$0x7FF] =	sst s3;
	s8 =	smul.u32 $0x4F000, s6  }
0x9: {  	s6 =	ssub.s32 $0x2, s6;
	s19 =	sor.u32 $0x1C02, s19;
	s4 =	sor.u32 s1, s4  }
0xa: {  	_ =	strace $0x8000004D;
	s30 =	sshrl.u32 s6, $0x1;
	s31 =	sshrl.u32 s9, $0x2  }
0xb: {  	s11 =	smul.u32 $0x4F0, s4;
	s4 =	sadd.s32 $0x3A00, s5;
	s8 =	sadd.s32 s7, s8  }
0xc: {  	s14 =	ssub.s32 s6, s30;
	s9 =	sadd.s32 s31, s2;
	s8 =	sshrl.u32 s8, $0x3  }
0xd: {  	s6 =	sadd.s32 $0x1000, s9;
	s12 =	sadd.s32 s11, s5;
	s13 =	sadd.s32 s8, s5  }
0xe: {  	s5 =	sadd.s32 s7, s2;
	s7 =	sadd.s32 $0x2000, s9;
	s8 =	sadd.s32 $0x3000, s9  }
0xf: {  	s9 =	sadd.s32 $0x4000, s9;
	s10 =	sadd.s32 s10, s11;
	s11 =	sadd.s32 $0x17800, s12  }
0x10: {  	v0 =	vimm.f32 $0.0e+00;
	s12 =	sadd.s32 $0x21600, s13;
	s13 =	smax.u32 s14, $0x1;
	s14 =	simm.s32 $0x4F00  }
.LBB2_1:
0x11: {  	s20 =	simm.s32 $0x80;
	s21 =	simm.s32 $0x0  }
.LBB2_2:
0x12: {  	p0 =	sne.s32 s20, $0x3F80;
	[tilespmem:s21+$0x4F00] =	vst v0;
	s22 =	smov.u32 s20;
	s20 =	sadd.s32 $0x80, s20  }
.Ltmp0:
0x13: {  	[tilespmem:s21+$0x4F10] =	vst v0;
	(pc) =	sbr.rel @p0 .LBB2_2-.Ltmp0, $2  }
0x14: {  	_ =	sdelay $0x2  }
0x15: {  	s21 =	sshra.s32 s22, $0x2  }
0x16: {  	[tilespmem:s21+$0x4F00] =	vst v0  }
0x17: {  	[tilespmem:s21+$0x4F10] =	vst v0  }
0x18: {  	[spmem:s5] =	stream.linear.scatter [tilespmem:s14], [sflag:$0x2], $0x1000, $0x38;
	[tilespmem:$0xAE00] =	vst v63  }
0x19: {  	_ =	swait.ge [sflag:s15], $0x1000  }
0x1a: {  	[sflag:s15] =	ssyncset.done $0x0  }
0x1b: {  	[sflag:s15] =	ssyncadd.s32 $0xFFFFF000  }
0x1c: {  	[spmem:s6] =	stream.linear.scatter [tilespmem:s14], [sflag:$0x2], $0x1000, $0x38;
	[tilespmem:$0xAE00] =	vst v63  }
0x1d: {  	_ =	swait.ge [sflag:s15], $0x1000  }
0x1e: {  	[sflag:s15] =	ssyncset.done $0x0  }
0x1f: {  	[sflag:s15] =	ssyncadd.s32 $0xFFFFF000  }
0x20: {  	[spmem:s7] =	stream.linear.scatter [tilespmem:s14], [sflag:$0x2], $0x1000, $0x38;
	[tilespmem:$0xAE00] =	vst v63  }
0x21: {  	_ =	swait.ge [sflag:s15], $0x1000  }
0x22: {  	[sflag:s15] =	ssyncset.done $0x0  }
0x23: {  	[sflag:s15] =	ssyncadd.s32 $0xFFFFF000  }
0x24: {  	[spmem:s8] =	stream.linear.scatter [tilespmem:s14], [sflag:$0x2], $0x1000, $0x38;
	[tilespmem:$0xAE00] =	vst v63  }
0x25: {  	_ =	swait.ge [sflag:s15], $0x1000  }
0x26: {  	[sflag:s15] =	ssyncset.done $0x0  }
0x27: {  	[sflag:s15] =	ssyncadd.s32 $0xFFFFF000  }
0x28: {  	[spmem:s9] =	stream.linear.scatter [tilespmem:s14], [sflag:$0x2], $0xF00, $0x38;
	[tilespmem:$0xAE00] =	vst v63  }
0x29: {  	_ =	swait.ge [sflag:s15], $0xF00  }
0x2a: {  	[sflag:s15] =	ssyncset.done $0x0  }
0x2b: {  	[sflag:s15] =	ssyncadd.s32 $0xFFFFF100  }
0x2c: {  	s20 =	simm.s32 $0x0;
	[bflag:$0x0] =	sbarrier.arrive $0xFFFF  }
0x2d: {  	[tilespmem:s20], [sflag:$0x2] =	stream.linear.gather [hbm4b:s10+s20], $0x2780, $0x38;
	[tilespmem:$0xAE00] =	vst v63  }
0x2e: {  	_ =	swait.ge [sflag:s15], $0x2780  }
0x2f: {  	[sflag:s15] =	ssyncset.done $0x0  }
0x30: {  	[sflag:s15] =	ssyncadd.s32 $0xFFFFD880  }
0x31: {  	[tilespmem:s16], [sflag:$0x2] =	stream.linear.gather [hbm4b:s11+s20], $0x2780, $0x38;
	[tilespmem:$0xAE00] =	vst v63  }
0x32: {  	_ =	swait.ge [sflag:s15], $0x2780  }
0x33: {  	[sflag:s15] =	ssyncset.done $0x0  }
0x34: {  	s30 =	simm.s32 $0x2780;
	[sflag:s15] =	ssyncadd.s32 $0xFFFFD880  }
0x35: {  	[tilespmem:s14], [sflag:$0x1] =	stream.indirect.gather [hbm4b:s4+s17], $0x20, s30, s17, $0xb8;
	[tilespmem:$0xAE00] =	vst v63  }
0x36: {  	_ =	swait.ge [sflag:s18], $0x1000  }
0x37: {  	[sflag:s18] =	ssyncset.done $0x0  }
0x38: {  	s31 =	simm.s32 $0x0;
	[sflag:s18] =	ssyncadd.s32 $0xFFFFF000  }
0x39: {  	[spmem:s2] =	stream.indirect.scatter.add.f32 [tilespmem:s14], [sflag:$0x2], $0x20, s31, s17, $0xb8;
	[tilespmem:$0xAE00] =	vst v63  }
0x3a: {  	_ =	swait.ge [sflag:s15], $0x1000  }
0x3b: {  	s21 =	simm.s32 $0x400;
	s20 =	simm.s32 $0x80;
	[sflag:s15] =	ssyncset.done $0x0  }
.LBB2_4:
0x3c: {  	s22 =	sadd.s32 $0x2780, s20  }
0x3d: {  	[sflag:s15] =	ssyncadd.s32 $0xFFFFF000;
	s23 =	smov.u32 s21;
	s24 =	sadd.s32 $0x200, s21  }
0x3e: {  	[tilespmem:s14], [sflag:$0x1] =	stream.indirect.gather [hbm4b:s4+s17], $0x20, s22, s17, $0xb8;
	[tilespmem:$0xAE00] =	vst v63  }
0x3f: {  	p0 =	sne.s32 s21, $0x9C00;
	_ =	swait.ge [sflag:s18], $0x1000  }
.Ltmp1:
0x40: {  	[sflag:s18] =	ssyncset.done $0x0;
	(pc) =	sbr.rel @p0 .LBB2_4-.Ltmp1, $4  }
0x41: {  	[sflag:s18] =	ssyncadd.s32 $0xFFFFF000  }
0x42: {  	[spmem:s2] =	stream.indirect.scatter.add.f32 [tilespmem:s14], [sflag:$0x2], $0x20, s20, s17, $0xb8;
	[tilespmem:$0xAE00] =	vst v63  }
0x43: {  	_ =	swait.ge [sflag:s15], $0x1000  }
0x44: {  	s21 =	smov.u32 s24;
	s20 =	sshra.s32 s23, $0x2;
	[sflag:s15] =	ssyncset.done $0x0  }
0x45: {  	s21 =	sadd.s32 $0x2780, s20;
	[sflag:s15] =	ssyncadd.s32 $0xFFFFF000  }
0x46: {  	[tilespmem:s14], [sflag:$0x1] =	stream.indirect.gather [hbm4b:s4+s17], $0x20, s21, s17, $0xb8;
	[tilespmem:$0xAE00] =	vst v63  }
0x47: {  	_ =	swait.ge [sflag:s18], $0x1000  }
0x48: {  	[sflag:s18] =	ssyncset.done $0x0  }
0x49: {  	[sflag:s18] =	ssyncadd.s32 $0xFFFFF000  }
0x4a: {  	[spmem:s2] =	stream.indirect.scatter.add.f32 [tilespmem:s14], [sflag:$0x2], $0x20, s20, s17, $0xb8;
	[tilespmem:$0xAE00] =	vst v63  }
0x4b: {  	_ =	swait.ge [sflag:s15], $0x1000  }
0x4c: {  	s3 =	sadd.s32 $0x1, s3;
	[sflag:s15] =	ssyncset.done $0x0  }
0x4d: {  	p0 =	sne.s32 s3, s13;
	[sflag:s15] =	ssyncadd.s32 $0xFFFFF000  }
.Ltmp2:
0x4e: {  	s31 =	sshrl.u32 s5, $0x3;
	[bflag:$0x0] =	sbarrier.arrive $0xFFFF;
	(pc) =	sbr.rel @p0 .LBB2_1-.Ltmp2, $4  }
0x4f: {  	[hbm:s12], [sflag:s19] =	dma.local [spmem:s31], $0x9E0  }
0x50: {  	_ =	swait.ge [sflag:s15], $0x9E0  }
0x51: {  	[sflag:s15] =	ssyncset.done $0x0  }
0x52: {  	[sflag:s15] =	ssyncadd.s32 $0xFFFFF620  }
0x53: {  	_ =	sfence.sel $0x180000  }
0x54: {  	[bflag:$0x0] =	sbarrier.arrive $0xFFFF  }
0x55: {  	p0 =	sne.s32 s1, $0x0;
	_ =	strace $0x9000004D  }
0x56: {  	s0 =	sadd.s32 @!p0 $0x100000, s0;
	[bflag:$0x2] =	sbarrier.arrive $0xFFFF  }
0x57: {  	[sflag:s0] =	ssyncadd.tile.s32 @!p0 $0x1;
	_ =	shalt  }
.Lfunc_end2:
_tile_overlayer_lowered:
.L_overlay_start_2:
0x58: {  	(tag) =	ssettag $0x2  }
0x59: {  	s0 =	rddreg [dreg:$0x0];
	s2 =	stileid.u32  }
0x5a: {  	s1 =	rddreg [dreg:$0x1];
	p0 =	sne.s32 s2, $0x0  }
0x5b: {  	s3 =	rddreg [dreg:$0x2];
	[bflag:$0x3] =	sbarrier.arrive $0xFFFF;
	s2 =	simm.s32 @!p0 $0x1C02  }
0x5c: {  	[timem:s3], [sflag:s2] =	dma.local @!p0 [hbm:s0], s1  }
0x5d: {  	s0 =	simm.s32 @!p0 $0x2  }
0x5e: {  	_ =	swait.ge @!p0 [sflag:s0], s1  }
0x5f: {  	s1 =	ssub.s32 @!p0 $0x0, s1;
	[sflag:s0] =	ssyncset.done @!p0 $0x0  }
0x60: {  	[sflag:s0] =	ssyncadd.s32 @!p0 s1  }
0x61: {  	[bflag:$0x3] =	sbarrier.arrive $0xFFFF  }
0x62: {  	_ =	shalt  }

// kernel: kernel.8.cloned.1.call-start
scs
__scs_entry_jumppad:
0x0: {  	(pc) =	sbr.rel $0x88, $3  }
0x1: {  	(tag) =	ssettag $0x0;
	lr =	simm.s32 $0x1  }
0x2: {  	[smem:$0x3F91] =	sst lr;
	_ =	strace $0xD0000000  }
0x3: {  	_ = 	snop  }
0x4: {  	_ = 	snop  }
0x5: {  	_ = 	snop  }
0x6: {  	_ = 	snop  }
0x7: {  	_ = 	snop  }
__scs_overlays_trampoline_lowered:
0x8: {  	[smem:$0x3FA0] =	sst s0  }
0x9: {  	[smem:$0x3FA1] =	sst s1  }
0xa: {  	[smem:$0x3FA2] =	sst s2  }
0xb: {  	[smem:$0x3FA3] =	sst s3  }
0xc: {  	[smem:$0x3FA4] =	sst s4  }
0xd: {  	[smem:$0x3FA5] =	sst s5  }
0xe: {  	[smem:$0x3FA6] =	sst s6  }
0xf: {  	[smem:$0x3FA7] =	sst s7  }
0x10: {  	[smem:$0x3FA8] =	sst s8  }
0x11: {  	[smem:$0x3FA9] =	sst s9;
	s0 =	simm.s32 @!p0 $0x0  }
0x12: {  	s1 =	sld [smem:$0x3F8F];
	s0 =	simm.s32 @p0 $0x1  }
0x13: {  	[smem:$0x3FAA] =	sst s0;
	s0 =	simm.s32 @!p1 $0x0  }
0x14: {  	s2 =	sld [smem:$0x3F8E];
	s0 =	simm.s32 @p1 $0x1  }
0x15: {  	[smem:$0x3FAB] =	sst s0;
	s0 =	simm.s32 @!p2 $0x0  }
0x16: {  	s3 =	sld [smem:$0x3FDB];
	s0 =	simm.s32 @p2 $0x1  }
0x17: {  	s4 =	simm.s32 $0x1BF5;
	[smem:$0x3FAD] =	sst s0  }
0x18: {  	s0 =	sld [smem:$0x3F90];
	_ =	swait.ge [sflag:s4], $0x0  }
0x19: {  	s7 =	sld [smem:$0x3F91]  }
0x1a: {  	s8 =	sadd.s32 $0xFFFFE003, lr  }
0x1b: {  	s9 =	sadd.s32 $0xFFFFFEF7, lr;
	s5 =	simm.s32 $0xFFFFFFFF;
	p2 =	slt.u32 s8, $0xFFFFF086  }
0x1c: {  	p1 =	slt.u32 s9, $0xF7A;
	s5 =	simm.s32 @!p2 $0x0  }
0x1d: {  	s5 =	simm.s32 @p1 $0x1;
	p0 =	seq.s32 s7, s2  }
0x1e: {  	s7 =	smul.u32 @!p0 $0xF7A, s2;
	p2 =	seq.s32 @!p0 s5, $0x0  }
0x1f: {  	s9 =	smul.u32 $0xF7A, s1;
	s8 =	simm.s32 @!p0 $0x1BF5;
	p2 =	por !p2, p0  }
0x20: {  	[sflag:s8] =	ssyncset.s32 @!p0 $0xFFFFF086;
	s6 =	sadd.s32 @!p0 s3, s7;
	s7 =	simm.s32 @!p0 $0x108  }
0x21: {  	s3 =	sadd.s32 s3, s9;
	s6 =	sadd.s32 @!p0 $0x88, s6;
	s7 =	simm.s32 @p2 $0x1082  }
0x22: {  	[simem:s7], [sflag:s8] =	dma.local @!p0 [hbm:s6], $0xF7A  }
0x23: {  	s9 =	sor.u32 $0xD0000000, s2;
	s6 =	simm.s32 $0x108;
	_ =	swait.ge @!p0 [sflag:s8], $0x0  }
0x24: {  	s3 =	sadd.s32 $0x88, s3;
	s6 =	simm.s32 @!p1 $0x1082;
	[sflag:s4] =	ssyncset.s32 $0xFFFFF086  }
0x25: {  	[simem:s6], [sflag:s4] =	dma.local [hbm:s3], $0xF7A  }
0x26: {  	[smem:$0x3F91] =	sst s1;
	(tag) =	ssettag s2;
	_ =	strace s9  }
0x27: {  	s1 =	sld [smem:$0x3FA1]  }
0x28: {  	s2 =	sld [smem:$0x3FA2]  }
0x29: {  	s4 =	sld [smem:$0x3FA4]  }
0x2a: {  	p0 =	seq.s32 s5, $0x0;
	s5 =	sld [smem:$0x3FA5]  }
0x2b: {  	s6 =	sld [smem:$0x3FA6]  }
0x2c: {  	s7 =	sld [smem:$0x3FA7]  }
0x2d: {  	s3 =	simm.s32 $0x108;
	s8 =	sld [smem:$0x3FA8]  }
0x2e: {  	s3 =	simm.s32 @!p0 $0x1082;
	s9 =	sld [smem:$0x3FA9]  }
0x2f: {  	lr =	sadd.s32 s0, s3;
	s0 =	sld [smem:$0x3FA0]  }
0x30: {  	s3 =	sld [smem:$0x3FA3]  }
0x31: {  	[smem:$0x3FAC] =	sst s10  }
0x32: {  	s10 =	sld [smem:$0x3FAA];
	_ =	sdelay $0x3  }
0x33: {  	p0 =	seq.s32 s10, $0x1;
	s10 =	sld [smem:$0x3FAC];
	_ =	sdelay $0x3  }
0x34: {  	[smem:$0x3FAC] =	sst s10  }
0x35: {  	s10 =	sld [smem:$0x3FAB];
	_ =	sdelay $0x3  }
0x36: {  	p1 =	seq.s32 s10, $0x1;
	s10 =	sld [smem:$0x3FAC];
	_ =	sdelay $0x3  }
0x37: {  	[smem:$0x3FAC] =	sst s10  }
0x38: {  	s10 =	sld [smem:$0x3FAD]  }
0x39: {  	_ = 	snop;
	(pc) =	sbr.ind lr, $3  }
0x3a: {  	_ = 	snop  }
0x3b: {  	_ = 	snop  }
0x3c: {  	p2 =	seq.s32 s10, $0x1;
	s10 =	sld [smem:$0x3FAC]  }
0x3d: {  	_ =	shalt  }
0x3e: {  	_ =	shalt  }
0x3f: {  	_ =	shalt  }
0x40: {  	_ =	shalt  }
0x41: {  	_ =	shalt  }
0x42: {  	_ =	shalt  }
0x43: {  	_ =	shalt  }
0x44: {  	_ =	shalt  }
0x45: {  	_ =	shalt  }
0x46: {  	_ =	shalt  }
0x47: {  	_ =	shalt  }
0x48: {  	_ =	shalt  }
0x49: {  	_ =	shalt  }
0x4a: {  	_ =	shalt  }
0x4b: {  	_ =	shalt  }
0x4c: {  	_ =	shalt  }
0x4d: {  	_ =	shalt  }
0x4e: {  	_ =	shalt  }
0x4f: {  	_ =	shalt  }
0x50: {  	_ =	shalt  }
0x51: {  	_ =	shalt  }
0x52: {  	_ =	shalt  }
0x53: {  	_ =	shalt  }
0x54: {  	_ =	shalt  }
0x55: {  	_ =	shalt  }
0x56: {  	_ =	shalt  }
0x57: {  	_ =	shalt  }
0x58: {  	_ =	shalt  }
0x59: {  	_ =	shalt  }
0x5a: {  	_ =	shalt  }
0x5b: {  	_ =	shalt  }
0x5c: {  	_ =	shalt  }
0x5d: {  	_ =	shalt  }
0x5e: {  	_ =	shalt  }
0x5f: {  	_ =	shalt  }
0x60: {  	_ =	shalt  }
0x61: {  	_ =	shalt  }
0x62: {  	_ =	shalt  }
0x63: {  	_ =	shalt  }
0x64: {  	_ =	shalt  }
0x65: {  	_ =	shalt  }
0x66: {  	_ =	shalt  }
0x67: {  	_ =	shalt  }
0x68: {  	_ =	shalt  }
0x69: {  	_ =	shalt  }
0x6a: {  	_ =	shalt  }
0x6b: {  	_ =	shalt  }
0x6c: {  	_ =	shalt  }
0x6d: {  	_ =	shalt  }
0x6e: {  	_ =	shalt  }
0x6f: {  	_ =	shalt  }
0x70: {  	_ =	shalt  }
0x71: {  	_ =	shalt  }
0x72: {  	_ =	shalt  }
0x73: {  	_ =	shalt  }
0x74: {  	_ =	shalt  }
0x75: {  	_ =	shalt  }
0x76: {  	_ =	shalt  }
0x77: {  	_ =	shalt  }
0x78: {  	_ =	shalt  }
0x79: {  	_ =	shalt  }
0x7a: {  	_ =	shalt  }
0x7b: {  	_ =	shalt  }
0x7c: {  	_ =	shalt  }
0x7d: {  	_ =	shalt  }
0x7e: {  	_ =	shalt  }
0x7f: {  	_ =	shalt  }
0x80: {  	_ =	shalt  }
0x81: {  	_ =	shalt  }
0x82: {  	_ =	shalt  }
0x83: {  	_ =	shalt  }
0x84: {  	_ =	shalt  }
0x85: {  	_ =	shalt  }
0x86: {  	_ =	shalt  }
0x87: {  	_ =	shalt  }
.Lfunc_end0:
.L_simem_size_0:
called_computation_lowered:
.L_overlay_start_0:
0x88: {  	s2 =	sld [smem:$0x3FD9]  }
0x89: {  	s3 =	sld [smem:$0x3FFE];
	_ =	sdelay $0x1  }
0x8a: {  	s1 =	srdreg.scid  }
0x8b: {  	s0 =	sand.u32 $0x1, s1  }
0x8c: {  	s17 =	sshll.u32 s0, $0xA;
	s2 =	sadd.s32 s3, s2  }
0x8d: {  	s2 =	sadd.s32 s2, s17  }
0x8e: {  	[smem:$0x3FB8] =	sst s2  }
0x8f: {  	_ = 	snop  }
0x90: {  	s2 =	sld [smem:$0x3FD0];
	(tm) =	ssettm $0x1  }
0x91: {  	s18 =	sld [smem:$0x3FFB];
	_ =	sdelay $0x3  }
0x92: {  	_ =	strace s18  }
0x93: {  	s3 =	sld [smem:$0x3FFC];
	_ =	sdelay $0x3  }
0x94: {  	_ =	strace s3  }
0x95: {  	s3 =	sld [smem:$0x3FFD];
	_ =	sdelay $0x3  }
0x96: {  	_ =	strace s3  }
0x97: {  	_ =	strace $0x8FFFFFFF  }
0x98: {  	s19 =	sld [smem:$0x3FDB];
	_ =	sdelay $0x1  }
0x99: {  	s4 =	simm.s32 $_scs_section_size  }
0x9a: {  	s5 =	simm.s32 $_size__tile_overlayer_lowered;
	s6 =	simm.s32 $_tile_overlayer_lowered  }
0x9b: {  	s22 =	simm.s32 $0x1BFF;
	s21 =	sshll.u32 s6, $0x1;
	s3 =	sadd.s32 s4, s19  }
0x9c: {  	s7 =	simm.s32 $0x0;
	s20 =	sshll.u32 s5, $0x1;
	s5 =	sadd.s32 s21, s3  }
0x9d: {  	[timem:s7], [sflag:s22] =	dma.local [hbm:s5], s20  }
0x9e: {  	_ =	swait.ge [sflag:s22], s20  }
0x9f: {  	s4 =	ssub.s32 $0x0, s20;
	[sflag:s22] =	ssyncset.done $0x0  }
0xa0: {  	[sflag:s22] =	ssyncadd.s32 s4;
	_ =	sdelay $0x1  }
0xa1: {  	s23 =	simm.s32 $0x1B8B  }
0xa2: {  	_ =	swait.ge [sflag:s23], $0x1  }
0xa3: {  	[sflag:s23] =	ssyncset.done $0x0  }
0xa4: {  	s25 =	simm.s32 $0x1B8E;
	s24 =	sld [smem:$0x3FFE];
	[sflag:s23] =	ssyncadd.s32 $0xFFFFFFFF  }
0xa5: {  	s26 =	simm.s32 $execute0_lowered;
	[smem:$0x3FD2] =	sst s25  }
0xa6: {  	s5 =	sshll.u32 s26, $0x1;
	_ =	strace $0x80000046;
	[dreg:$0x1] =	wrdreg $0xFFFFFFFF  }
0xa7: {  	s28 =	simm.s32 $_size_execute0_lowered;
	s3 =	sadd.s32 s3, s5;
	[dreg:$0x0] =	wrdreg $0x0  }
0xa8: {  	s5 =	sshll.u32 s28, $0x1;
	[dreg:$0x2] =	wrdreg s3  }
0xa9: {  	[dreg:$0x3] =	wrdreg s5  }
0xaa: {  	[dreg:$0x4] =	wrdreg $0xC0  }
0xab: {  	_ =	task [dreg:s7], $0x5FFFF  }
0xac: {  	[dreg:$0x1] =	wrdreg $0xFFFFFFFF  }
0xad: {  	[dreg:$0x0] =	wrdreg $0x60  }
0xae: {  	[dreg:$0x2] =	wrdreg s2  }
0xaf: {  	[dreg:$0x3] =	wrdreg s24  }
0xb0: {  	[dreg:$0x4] =	wrdreg $0x2F800  }
0xb1: {  	[dreg:$0x5] =	wrdreg $0x9  }
0xb2: {  	_ =	task.clear_ibuf [dreg:s7], $0x6FFFF;
	_ =	strace $0x90000046  }
0xb3: {  	s29 =	simm.s32 $0x9;
	_ =	strace $0x80000048  }
0xb4: {  	_ =	swait.ge [sflag:s29], $0x1  }
0xb5: {  	[sflag:s29] =	ssyncadd.s32 $0xFFFFFFFF  }
0xb6: {  	_ =	strace $0x90000048  }
0xb7: {  	_ =	sfence  }
0xb8: {  	s30 =	sld [smem:$0x0];
	_ =	sdelay $0x2  }
0xb9: {  	s31 =	sshll.u32 s1, $0xD;
	s1 =	sshrl.u32 s1, $0x2  }
0xba: {  	s3 =	sand.u32 $0x4000, s31;
	s1 =	sadd.s32 s1, s30  }
0xbb: {  	s0 =	sor.u32 s3, s0;
	s1 =	sshll.u32 s1, $0x11  }
0xbc: {  	s0 =	sor.u32 s1, s0  }
0xbd: {  	s0 =	sadd.s32 $0x8F2B, s0  }
0xbe: {  	[sflag:s0] =	ssyncadd.remote.s32 $0x1  }
0xbf: {  	_ =	sfence.sel $0xFFFF  }
0xc0: {  	[dreg:$0x0] =	wrdreg $0xFFFFFFFF;
	(pc) =	sbr.abs _section_cstart, $3  }
0xc1: {  	[dreg:$0x1] =	wrdreg $0xFFFFFFFF  }
0xc2: {  	_ =	task.clear_ibuf [dreg:s7], $0x2FFFF;
	_ =	strace $0x9FFFFFFF  }
0xc3: {  	(tm) =	ssettm $0x7FFFFFFF  }
tec
execute0_lowered:
.L_overlay_start_1:
0x0: {  	(tag) =	ssettag $0x1  }
0x1: {  	s4 =	rddreg [dreg:$0x0]  }
0x2: {  	s5 =	rddreg [dreg:$0x1]  }
0x3: {  	s2 =	rddreg [dreg:$0x2]  }
0x4: {  	s0 =	rddreg [dreg:$0x3]  }
0x5: {  	s6 =	srdreg.scid;
	s1 =	stileid.u32  }
0x6: {  	s3 =	simm.s32 $0x0;
	s13 =	simm.s32 $0x2780;
	s14 =	simm.s32 $0x80  }
0x7: {  	s17 =	simm.s32 $0x0;
	s6 =	sand.u32 $0x1, s6;
	s7 =	smul.u32 $0x2780, s1  }
0x8: {  	[smem:$0x7FF] =	sst s3;
	s10 =	smul.u32 $0x9E00, s1;
	s15 =	sshll.u32 s1, $0x6  }
0x9: {  	s8 =	smul.u32 $0x27800, s6;
	_ =	strace $0x80000047;
	s9 =	sshll.u32 s6, $0x4  }
0xa: {  	s6 =	ssub.s32 $0x2, s6;
	s15 =	sor.u32 $0x1C01, s15;
	s9 =	sor.u32 s1, s9  }
0xb: {  	s11 =	sshrl.u32 s6, $0x1;
	s10 =	sshrl.u32 s10, $0x2;
	s8 =	sadd.s32 s7, s8  }
0xc: {  	s9 =	smul.u32 $0x4F0, s9;
	s11 =	ssub.s32 s6, s11;
	s10 =	sadd.s32 s10, s2  }
0xd: {  	s8 =	sshrl.u32 s8, $0x3;
	s6 =	sadd.s32 $0x800, s10;
	s11 =	smax.u32 s11, $0x1  }
0xe: {  	s12 =	sadd.s32 s8, s5;
	s4 =	sadd.s32 s4, s9;
	s5 =	sadd.s32 s7, s2  }
0xf: {  	s7 =	sadd.s32 $0x1000, s10;
	s8 =	sadd.s32 $0x1800, s10;
	s9 =	sadd.s32 $0x2000, s10  }
0x10: {  	v0 =	vimm.f32 $0.0e+00;
	v1 =	vimm.f32 $1.000000000e+00;
	s10 =	sadd.s32 $0x3A00, s12;
	s12 =	simm.s32 $0x1;
	s16 =	sshrl.u32 s5, $0x3  }
.LBB2_1:
0x11: {  	[tilespmem:s3], [sflag:$0x1] =	stream.linear.gather [hbm4b:s4+s3], $0x2780, $0x38;
	[tilespmem:$0x5700] =	vst v63  }
0x12: {  	_ =	swait.ge [sflag:s12], $0x2780  }
0x13: {  	[sflag:s12] =	ssyncset.done $0x0  }
0x14: {  	s18 =	simm.s32 $0x40;
	s19 =	simm.s32 $0x0;
	[sflag:s12] =	ssyncadd.s32 $0xFFFFD880  }
.LBB2_2:
0x15: {  	p0 =	sne.s32 s18, $0x1FC0;
	[tilespmem:s19+$0x2780] =	vst v0;
	s19 =	smov.u32 s18;
	s18 =	sadd.s32 $0x40, s18  }
.Ltmp0:
0x16: {  	(pc) =	sbr.rel @p0 .LBB2_2-.Ltmp0, $2  }
0x17: {  	_ =	sdelay $0x2  }
0x18: {  	s19 =	sshra.s32 s19, $0x2  }
0x19: {  	[tilespmem:s19+$0x2780] =	vst v0  }
0x1a: {  	[spmem:s5] =	stream.linear.scatter [tilespmem:s13], [sflag:$0x1], $0x800, $0x38;
	[tilespmem:$0x5700] =	vst v63  }
0x1b: {  	_ =	swait.ge [sflag:s12], $0x800  }
0x1c: {  	[sflag:s12] =	ssyncset.done $0x0  }
0x1d: {  	[sflag:s12] =	ssyncadd.s32 $0xFFFFF800  }
0x1e: {  	[spmem:s6] =	stream.linear.scatter [tilespmem:s13], [sflag:$0x1], $0x800, $0x38;
	[tilespmem:$0x5700] =	vst v63  }
0x1f: {  	_ =	swait.ge [sflag:s12], $0x800  }
0x20: {  	[sflag:s12] =	ssyncset.done $0x0  }
0x21: {  	[sflag:s12] =	ssyncadd.s32 $0xFFFFF800  }
0x22: {  	[spmem:s7] =	stream.linear.scatter [tilespmem:s13], [sflag:$0x1], $0x800, $0x38;
	[tilespmem:$0x5700] =	vst v63  }
0x23: {  	_ =	swait.ge [sflag:s12], $0x800  }
0x24: {  	[sflag:s12] =	ssyncset.done $0x0  }
0x25: {  	[sflag:s12] =	ssyncadd.s32 $0xFFFFF800  }
0x26: {  	[spmem:s8] =	stream.linear.scatter [tilespmem:s13], [sflag:$0x1], $0x800, $0x38;
	[tilespmem:$0x5700] =	vst v63  }
0x27: {  	_ =	swait.ge [sflag:s12], $0x800  }
0x28: {  	[sflag:s12] =	ssyncset.done $0x0  }
0x29: {  	[sflag:s12] =	ssyncadd.s32 $0xFFFFF800  }
0x2a: {  	[spmem:s9] =	stream.linear.scatter [tilespmem:s13], [sflag:$0x1], $0x780, $0x38;
	[tilespmem:$0x5700] =	vst v63  }
0x2b: {  	_ =	swait.ge [sflag:s12], $0x780  }
0x2c: {  	[sflag:s12] =	ssyncset.done $0x0  }
0x2d: {  	[sflag:s12] =	ssyncadd.s32 $0xFFFFF880  }
0x2e: {  	s18 =	simm.s32 $0x40;
	s19 =	simm.s32 $0x0;
	[bflag:$0x0] =	sbarrier.arrive $0xFFFF  }
.LBB2_4:
0x2f: {  	p0 =	sne.s32 s18, $0x1FC0;
	[tilespmem:s19+$0x2780] =	vst v1;
	s19 =	smov.u32 s18;
	s18 =	sadd.s32 $0x40, s18  }
.Ltmp1:
0x30: {  	(pc) =	sbr.rel @p0 .LBB2_4-.Ltmp1, $2  }
0x31: {  	_ =	sdelay $0x2  }
0x32: {  	s19 =	sshra.s32 s19, $0x2  }
0x33: {  	[tilespmem:s19+$0x2780] =	vst v1;
	s18 =	simm.s32 $0x0  }
0x34: {  	[spmem:s2] =	stream.indirect.scatter.add.f32 [tilespmem:s13], [sflag:$0x1], $0x10, s18, s14, $0xb8;
	[tilespmem:$0x5700] =	vst v63  }
0x35: {  	_ =	swait.ge [sflag:s12], $0x800  }
0x36: {  	s18 =	simm.s32 $0x200;
	[sflag:s12] =	ssyncset.done $0x0  }
.LBB2_6:
0x37: {  	s19 =	sshra.s32 s18, $0x2;
	[sflag:s12] =	ssyncadd.s32 $0xFFFFF800;
	p0 =	sne.s32 s18, $0x9C00  }
0x38: {  	[spmem:s2] =	stream.indirect.scatter.add.f32 [tilespmem:s13], [sflag:$0x1], $0x10, s19, s14, $0xb8;
	[tilespmem:$0x5700] =	vst v63  }
.Ltmp2:
0x39: {  	_ = 	snop;
	(pc) =	sbr.rel @p0 .LBB2_6-.Ltmp2, $4  }
0x3a: {  	_ = 	snop  }
0x3b: {  	s18 =	sadd.s32 $0x200, s18  }
0x3c: {  	_ =	swait.ge [sflag:s12], $0x800  }
0x3d: {  	[sflag:s12] =	ssyncset.done $0x0  }
0x3e: {  	s17 =	sadd.s32 $0x1, s17  }
0x3f: {  	[sflag:s12] =	ssyncadd.s32 $0xFFFFF800;
	p0 =	sne.s32 s17, s11  }
.Ltmp3:
0x40: {  	[bflag:$0x0] =	sbarrier.arrive $0xFFFF;
	(pc) =	sbr.rel @p0 .LBB2_1-.Ltmp3, $4  }
0x41: {  	[hbm:s10], [sflag:s15] =	dma.local [spmem:s16], $0x4F0  }
0x42: {  	_ =	swait.ge [sflag:s12], $0x4F0  }
0x43: {  	[sflag:s12] =	ssyncset.done $0x0  }
0x44: {  	[sflag:s12] =	ssyncadd.s32 $0xFFFFFB10  }
0x45: {  	_ =	sfence.sel $0x180000  }
0x46: {  	[bflag:$0x0] =	sbarrier.arrive $0xFFFF  }
0x47: {  	p0 =	sne.s32 s1, $0x0;
	_ =	strace $0x90000047  }
0x48: {  	s0 =	sadd.s32 @!p0 $0x100000, s0;
	[bflag:$0x2] =	sbarrier.arrive $0xFFFF  }
0x49: {  	[sflag:s0] =	ssyncadd.tile.s32 @!p0 $0x1;
	_ =	shalt  }
.Lfunc_end2:
_tile_overlayer_lowered:
.L_overlay_start_2:
0x4a: {  	(tag) =	ssettag $0x2  }
0x4b: {  	s0 =	rddreg [dreg:$0x0];
	s2 =	stileid.u32  }
0x4c: {  	s1 =	rddreg [dreg:$0x1];
	p0 =	sne.s32 s2, $0x0  }
0x4d: {  	s3 =	rddreg [dreg:$0x2];
	[bflag:$0x3] =	sbarrier.arrive $0xFFFF;
	s2 =	simm.s32 @!p0 $0x1C01  }
0x4e: {  	[timem:s3], [sflag:s2] =	dma.local @!p0 [hbm:s0], s1  }
0x4f: {  	s0 =	simm.s32 @!p0 $0x1  }
0x50: {  	_ =	swait.ge @!p0 [sflag:s0], s1  }
0x51: {  	s1 =	ssub.s32 @!p0 $0x0, s1;
	[sflag:s0] =	ssyncset.done @!p0 $0x0  }
0x52: {  	[sflag:s0] =	ssyncadd.s32 @!p0 s1  }
0x53: {  	[bflag:$0x3] =	sbarrier.arrive $0xFFFF  }
0x54: {  	_ =	shalt  }

</sc_bundles>
